<compile_context>
chip_gen: v7x
topology: tpu7x:2x2x1
jax: 0.10.2.dev20260603
libtpu: 0.0.44.dev20260713+nightly
codegen_flags: <defaults>
</compile_context>

<pallas_src>
import jax
import jax.numpy as jnp
from jax import lax
from jax.experimental import pallas as pl
from jax.experimental.pallas import tpu as pltpu
from jax.experimental.pallas import tpu_sc as plsc

_N = 2
_M = 8192
_D = 32
_L = 32
_B = 128
_BHW = _B * _L
_EMA_DECAY = 0.999
_EPS = 1e-05
_BETA = 0.25

_RB = 256
_NR = _BHW // _RB
_DA = 48

_NS = 16
_RPT = _BHW // _NS
_MPT = _M // _NS



def _argmin_body(x_ref, e_ref, te_ref, tx_ref,
                 idxl_ref, idxg_ref, xa_ref, loss_ref, et_s):
    n = pl.program_id(0)
    r = pl.program_id(1)
    first = jnp.logical_and(n == 0, r == 0)
    last = jnp.logical_and(n == _N - 1, r == _NR - 1)
    xb = x_ref[0]

    @pl.when(r == 0)
    def _load_et():
        et_s[...] = jnp.swapaxes(e_ref[0], 0, 1)

    et = et_s[...]
    b = jax.lax.dot_general(xb, et, (((1,), (0,)), ((), ())),
                            precision=jax.lax.Precision.DEFAULT)
    dist = (te_ref[0] + tx_ref[0].reshape(_RB, 1)) + (-2.0) * b
    mn = jnp.min(dist, axis=1, keepdims=True)
    iota1 = jax.lax.broadcasted_iota(jnp.int32, (_RB, _M), 1)
    idx = jnp.min(jnp.where(dist == mn, iota1, _M), axis=1)
    i2 = idx.reshape(2, 128)
    idxl_ref[0] = i2
    idxg_ref[0] = i2 + n * _M
    xa_ref[0] = jnp.concatenate(
        [xb, jnp.ones((_RB, 1), jnp.float32),
         jnp.zeros((_RB, _DA - _D - 1), jnp.float32)], axis=1)

    @pl.when(first)
    def _init():
        loss_ref[...] = jnp.zeros((1, 1), jnp.float32)

    lacc = loss_ref[...] + jnp.sum(mn)
    loss_ref[...] = jnp.where(last, lacc * (_BETA / (_N * _BHW * _D)), lacc)


def _tc_argmin(x_flat, embedding, te, tx):
    return pl.pallas_call(
        _argmin_body,
        grid=(_N, _NR),
        in_specs=[
            pl.BlockSpec((1, _RB, _D), lambda n, r: (n, r, 0)),
            pl.BlockSpec((1, _M, _D), lambda n, r: (n, 0, 0)),
            pl.BlockSpec((1, 1, _M), lambda n, r: (n, 0, 0)),
            pl.BlockSpec((1, 1, _RB), lambda n, r: (n * _NR + r, 0, 0)),
        ],
        out_specs=[
            pl.BlockSpec((1, 2, 128), lambda n, r: (n * _NR + r, 0, 0)),
            pl.BlockSpec((1, 2, 128), lambda n, r: (n * _NR + r, 0, 0)),
            pl.BlockSpec((1, _RB, _DA), lambda n, r: (n, r, 0)),
            pl.BlockSpec((1, 1), lambda n, r: (0, 0)),
        ],
        out_shape=(
            jax.ShapeDtypeStruct((_N * _NR, 2, 128), jnp.int32),
            jax.ShapeDtypeStruct((_N * _NR, 2, 128), jnp.int32),
            jax.ShapeDtypeStruct((_N, _BHW, _DA), jnp.float32),
            jax.ShapeDtypeStruct((1, 1), jnp.float32),
        ),
        scratch_shapes=[pltpu.VMEM((_D, _M), jnp.float32)],
        compiler_params=pltpu.CompilerParams(
            dimension_semantics=("arbitrary", "arbitrary")),
    )(x_flat, embedding, te.reshape(_N, 1, _M),
      tx.reshape(_N * _NR, 1, _RB))



def _sc_body(idxl_hbm, idxg_hbm, xa_hbm, embf_hbm,
             dw_hbm, q_hbm,
             idxl_v, idxg_v, x_v, rows_v, zv, dw_sh, sem):
    c = lax.axis_index("c")
    s = lax.axis_index("s")
    base2 = c * (2 * _NS) + s * 2
    rbase = c * _BHW + s * _RPT
    mbase = s * _MPT

    pltpu.sync_copy(idxl_hbm.at[pl.ds(base2, 2), :], idxl_v)
    pltpu.sync_copy(idxg_hbm.at[pl.ds(base2, 2), :], idxg_v)
    pltpu.sync_copy(xa_hbm.at[pl.ds(rbase, _RPT), :], x_v)

    def _zero_row(i, _):
        for j in range(_DA // 16):
            zv[i, pl.ds(j * 16, 16)] = jnp.zeros((16,), jnp.float32)
        return 0
    lax.fori_loop(0, _MPT, _zero_row, 0)
    pltpu.sync_copy(zv, dw_sh.at[pl.ds(mbase, _MPT), :])
    plsc.subcore_barrier()

    pltpu.sync_copy(x_v.at[pl.ds(0, 128), :], dw_sh.at[idxl_v.at[0]], add=True)
    pltpu.sync_copy(x_v.at[pl.ds(128, 128), :], dw_sh.at[idxl_v.at[1]], add=True)
    plsc.subcore_barrier()

    pltpu.sync_copy(dw_sh.at[pl.ds(mbase, _MPT), :],
                    dw_hbm.at[pl.ds(c * _M + mbase, _MPT), :])

    pltpu.async_copy(embf_hbm.at[idxg_v.at[0]],
                     rows_v.at[pl.ds(0, 128), :], sem).wait()
    pltpu.async_copy(embf_hbm.at[idxg_v.at[1]],
                     rows_v.at[pl.ds(128, 128), :], sem).wait()
    pltpu.sync_copy(rows_v, q_hbm.at[pl.ds(rbase, _RPT), :])


def _sc_scatter_gather(idxl, idxg, x_aug, emb_flat):
    mesh = plsc.VectorSubcoreMesh(core_axis_name="c", subcore_axis_name="s")
    kfn = pl.kernel(
        _sc_body,
        out_type=(
            jax.ShapeDtypeStruct((_N * _M, _DA), jnp.float32),
            jax.ShapeDtypeStruct((_N * _BHW, _D), jnp.float32),
        ),
        mesh=mesh,
        scratch_types=[
            pltpu.VMEM((2, 128), jnp.int32),
            pltpu.VMEM((2, 128), jnp.int32),
            pltpu.VMEM((_RPT, _DA), jnp.float32),
            pltpu.VMEM((_RPT, _D), jnp.float32),
            pltpu.VMEM((_MPT, _DA), jnp.float32),
            pltpu.VMEM_SHARED((_M, _DA), jnp.float32),
            pltpu.SemaphoreType.DMA,
        ],
        compiler_params=pltpu.CompilerParams(use_tc_tiling_on_sc=False),
    )
    return kfn(idxl.reshape(_N * _NR * 2, 128), idxg.reshape(_N * _NR * 2, 128),
               x_aug.reshape(_N * _BHW, _DA), emb_flat)



def _finalize_body(dwa_ref, q_ref, ew_ref, ec_ref,
                   zq_ref, perp_ref, ne_ref, nec_ref, new_ref):
    n = pl.program_id(0)
    dwa = dwa_ref[0]
    dw = dwa[:, :_D]
    counts = dwa[:, _D:_D + 1]
    ec_col = jnp.swapaxes(ec_ref[0], 0, 1)
    nec = _EMA_DECAY * ec_col + (1.0 - _EMA_DECAY) * counts
    ntot = jnp.sum(nec)
    nec2 = (nec + _EPS) / (ntot + _M * _EPS) * ntot
    nec_ref[0] = jnp.swapaxes(nec2, 0, 1)
    new_w = _EMA_DECAY * ew_ref[0] + (1.0 - _EMA_DECAY) * dw
    new_ref[0] = new_w
    ne_ref[0] = new_w / nec2

    qn = q_ref[0]
    zq_ref[...] = jnp.swapaxes(
        qn.reshape(_B, _L, _D), 1, 2).reshape(_B, _D * _L)

    @pl.when(n == 0)
    def _init():
        perp_ref[...] = jnp.zeros((1, 1), jnp.float32)

    p = counts * (1.0 / _BHW)
    ent = -jnp.sum(p * jnp.log(p + 1e-10))
    perp_ref[...] += jnp.exp(ent)


def _tc_finalize(dw_aug, q_rows, ema_weight, ema_count):
    return pl.pallas_call(
        _finalize_body,
        grid=(_N,),
        in_specs=[
            pl.BlockSpec((1, _M, _DA), lambda n: (n, 0, 0)),
            pl.BlockSpec((1, _BHW, _D), lambda n: (n, 0, 0)),
            pl.BlockSpec((1, _M, _D), lambda n: (n, 0, 0)),
            pl.BlockSpec((1, 1, _M), lambda n: (n, 0, 0)),
        ],
        out_specs=[
            pl.BlockSpec((_B, _D * _L), lambda n: (0, n)),
            pl.BlockSpec((1, 1), lambda n: (0, 0)),
            pl.BlockSpec((1, _M, _D), lambda n: (n, 0, 0)),
            pl.BlockSpec((1, 1, _M), lambda n: (n, 0, 0)),
            pl.BlockSpec((1, _M, _D), lambda n: (n, 0, 0)),
        ],
        out_shape=(
            jax.ShapeDtypeStruct((_B, _N * _D * _L), jnp.float32),
            jax.ShapeDtypeStruct((1, 1), jnp.float32),
            jax.ShapeDtypeStruct((_N, _M, _D), jnp.float32),
            jax.ShapeDtypeStruct((_N, 1, _M), jnp.float32),
            jax.ShapeDtypeStruct((_N, _M, _D), jnp.float32),
        ),
        compiler_params=pltpu.CompilerParams(
            dimension_semantics=("arbitrary",)),
    )(dw_aug.reshape(_N, _M, _DA), q_rows.reshape(_N, _BHW, _D),
      ema_weight, ema_count.reshape(_N, 1, _M))



def kernel(x, embedding, ema_weight, ema_count):
    bs = x.shape[0]
    N, M, D = embedding.shape
    L = _L
    x4 = x.reshape(bs, N, D, L)
    x_flat = jnp.transpose(x4, (1, 0, 3, 2)).reshape(N, bs * L, D)
    te = jnp.sum(embedding ** 2, axis=2)
    tx = jnp.sum(x_flat ** 2, axis=2)
    emb_flat = embedding.reshape(N * M, D)

    idxl, idxg, x_aug, loss2 = _tc_argmin(x_flat, embedding, te, tx)
    dw_aug, q_rows = _sc_scatter_gather(idxl, idxg, x_aug, emb_flat)
    z_q, perp2, new_embeddings, nec3, new_ema_weight = _tc_finalize(
        dw_aug, q_rows, ema_weight, ema_count)

    indices = idxl.reshape(N, bs * L)
    inds = jnp.transpose(indices.reshape(N, bs, L), (1, 0, 2))[:, :, :, None]
    enc_q = z_q.reshape(bs, N * D, L, 1)
    loss = loss2.reshape(())
    perplexity = perp2.reshape(())
    new_ema_count = nec3.reshape(N, M)
    return (z_q, loss, perplexity, inds, enc_q,
            new_embeddings, new_ema_count, new_ema_weight)

# --- scband reference (transcript-rebuilt; emitter-appended) ---
"""Pipeline reference for scband-vqembedding-ema-58428735094911 (READ-ONLY COPY).

The authoritative reference and input builder live on the scoring server;
editing this copy changes nothing except your own understanding.
"""

import jax, jax.numpy as jnp
import numpy as np

NUM_CODEBOOKS = 2
NUM_EMBS = 8192
EMB_DIM = 32
NUM_LATENTS = 32
EMA_DECAY = 0.999
EPS = 1e-05
BETA = 0.25
BATCH = 128


def setup_inputs(seed: int = 0) -> dict:
    key = jax.random.key(seed)
    k1, k2, k3 = jax.random.split(key, 3)
    bound = 1.0 / NUM_EMBS * 5
    x = jax.random.normal(k1, (BATCH, NUM_CODEBOOKS * EMB_DIM * NUM_LATENTS), dtype=jnp.float32)
    embedding = jax.random.uniform(k2, (NUM_CODEBOOKS, NUM_EMBS, EMB_DIM), minval=-bound, maxval=bound, dtype=jnp.float32)
    ema_weight = jax.random.uniform(k3, (NUM_CODEBOOKS, NUM_EMBS, EMB_DIM), minval=-bound, maxval=bound, dtype=jnp.float32)
    ema_count = jnp.zeros((NUM_CODEBOOKS, NUM_EMBS), dtype=jnp.float32)
    return {"x": x, "embedding": embedding, "ema_weight": ema_weight, "ema_count": ema_count}


def reference(x, embedding, ema_weight, ema_count):
    bs = x.shape[0]
    N, M, D = embedding.shape
    L = NUM_LATENTS
    # einops: b (n d l) -> b (n d) l 1
    x4 = x.reshape(bs, N, D, L).reshape(bs, N * D, L, 1)
    B, C, H, W = x4.shape
    # b (n d) h w -> n b h w d
    xr = jnp.transpose(x4.reshape(B, N, D, H, W), (1, 0, 3, 4, 2))
    # n b h w d -> n (b h w) d
    x_flat = xr.reshape(N, B * H * W, D)
    x_flat = jax.lax.stop_gradient(x_flat)
    to_add = jnp.expand_dims(jnp.sum(embedding ** 2, axis=2), axis=1)
    to_add = to_add + jnp.sum(x_flat ** 2, axis=2, keepdims=True)
    embedding_t = jnp.swapaxes(embedding, 1, 2)
    b1b2 = jax.lax.batch_matmul(x_flat, embedding_t)
    distances = 1.0 * to_add + (-2.0) * b1b2
    indices = jnp.argmin(distances, axis=-1)  # [N, B*H*W]
    encodings = jax.nn.one_hot(indices, M).astype(jnp.float32)
    indices_exp = jnp.broadcast_to(indices[:, :, None], (N, B * H * W, D))
    quantized = jnp.take_along_axis(embedding, indices_exp, axis=1)
    quantized = quantized.reshape(xr.shape)
    # EMA state updates (is_training=True path)
    new_ema_count = EMA_DECAY * ema_count + (1.0 - EMA_DECAY) * jnp.sum(encodings, axis=1)
    n = jnp.sum(new_ema_count, axis=-1, keepdims=True)
    new_ema_count = (new_ema_count + EPS) / (n + M * EPS) * n
    encodings_t = jnp.swapaxes(encodings, 1, 2)
    dw = jax.lax.batch_matmul(encodings_t, x_flat)
    new_ema_weight = EMA_DECAY * ema_weight + (1.0 - EMA_DECAY) * dw
    new_embeddings = new_ema_weight / jnp.expand_dims(new_ema_count, axis=-1)
    e_latent_loss = jnp.mean((xr - jax.lax.stop_gradient(quantized)) ** 2)
    loss = BETA * e_latent_loss
    quantized_st = jax.lax.stop_gradient(quantized) + (xr - jax.lax.stop_gradient(xr))
    avg_probs = jnp.mean(encodings, axis=1)
    perplexity = jnp.exp(-jnp.sum(avg_probs * jnp.log(avg_probs + 1e-10), axis=-1)).sum()
    # n b h w d -> b (n d) h w
    q = jnp.transpose(quantized_st, (1, 0, 4, 2, 3)).reshape(B, N * D, H, W)
    # n (b h w) -> b n h w
    inds = jnp.transpose(indices.reshape(N, B, H, W), (1, 0, 2, 3))
    z_q = q.reshape(bs, N * L * D)
    # inds_to_z_q: embedding lookup of quantization indices
    inds_flat = jnp.transpose(inds, (1, 0, 2, 3)).reshape(N, B * H * W)
    inds_flat = jnp.broadcast_to(inds_flat[:, :, None], (N, B * H * W, D))
    enc_q = jnp.take_along_axis(embedding, inds_flat, axis=1)
    enc_q = enc_q.reshape(N, B, H, W, D)
    enc_q = jnp.transpose(enc_q, (1, 0, 4, 2, 3)).reshape(B, N * D, H, W)
    return (z_q, loss, perplexity, inds, enc_q, new_embeddings, new_ema_count, new_ema_weight)

if __name__ == "__main__":
    import jax
    _d = setup_inputs()
    print(jax.jit(kernel)(*tuple(_d.values())))

</pallas_src>

<mosaic_0001>
#map = affine_map<(d0, d1) -> (0, 0)>
module attributes {stable_mosaic.version = 14 : i64} {
  func.func @_sc_body(%arg0: i32, %arg1: i32, %arg2: memref<64x128xi32, #tpu.memory_space<hbm>>, %arg3: memref<64x128xi32, #tpu.memory_space<hbm>>, %arg4: memref<8192x48xf32, #tpu.memory_space<hbm>>, %arg5: memref<16384x32xf32, #tpu.memory_space<hbm>>, %arg6: memref<16384x48xf32, #tpu.memory_space<hbm>>, %arg7: memref<8192x32xf32, #tpu.memory_space<hbm>>, %arg8: memref<2x128xi32, #tpu.memory_space<vmem>>, %arg9: memref<2x128xi32, #tpu.memory_space<vmem>>, %arg10: memref<256x48xf32, #tpu.memory_space<vmem>>, %arg11: memref<256x32xf32, #tpu.memory_space<vmem>>, %arg12: memref<512x48xf32, #tpu.memory_space<vmem>>, %arg13: memref<8192x48xf32, #tpu.memory_space<vmem_shared>>, %arg14: memref<!tpu.dma_semaphore, #tpu.memory_space<semaphore_mem>>) attributes {dimension_semantics = [#tpu.dimension_semantics<core_parallel>, #tpu.dimension_semantics<subcore_parallel>], iteration_bounds = array<i64: 2, 16>, scalar_prefetch = 0 : i64, scratch_operands = 7 : i64, tpu.core_type = #tpu.core_type<sc_vector_subcore>, window_params = [{transform_indices = #map}, {transform_indices = #map}, {transform_indices = #map}, {transform_indices = #map}, {transform_indices = #map}, {transform_indices = #map}]} {
    %mul3A = arith.constant 32 : i32
    %mul3A_0 = arith.muli %arg0, %mul3A : i32
    %mul3A_1 = arith.constant 2 : i32
    %mul3A_2 = arith.muli %arg1, %mul3A_1 : i32
    %add3A = arith.addi %mul3A_0, %mul3A_2 : i32
    %mul3A_3 = arith.constant 4096 : i32
    %mul3A_4 = arith.muli %arg0, %mul3A_3 : i32
    %mul3A_5 = arith.constant 256 : i32
    %mul3A_6 = arith.muli %arg1, %mul3A_5 : i32
    %add3A_7 = arith.addi %mul3A_4, %mul3A_6 : i32
    %mul3A_8 = arith.constant 512 : i32
    %mul3A_9 = arith.muli %arg1, %mul3A_8 : i32
    "tpu.region"() ({
      %run_scoped3A_59 = tpu.sem_alloc : memref<!tpu.dma_semaphore, #tpu.memory_space<semaphore_mem>>
      %dma_start3A_60 = arith.constant 0 : i32
      %dma_start3A_61 = tpu.memref_slice %arg2[%add3A, %dma_start3A_60] : memref<64x128xi32, #tpu.memory_space<hbm>> -> memref<2x128xi32, #tpu.memory_space<hbm>>
      %dma_start3A_62 = arith.constant 0 : i32
      %dma_start3A_63 = tpu.memref_slice %arg2[%add3A, %dma_start3A_62] : memref<64x128xi32, #tpu.memory_space<hbm>> -> memref<2x128xi32, #tpu.memory_space<hbm>>
      tpu.enqueue_dma source(%dma_start3A_63 : memref<2x128xi32, #tpu.memory_space<hbm>>) target(%arg8 : memref<2x128xi32, #tpu.memory_space<vmem>>) target_semaphore(%run_scoped3A_59 : memref<!tpu.dma_semaphore, #tpu.memory_space<semaphore_mem>>)
      %dma_wait3A_64 = arith.constant 0 : i32
      %dma_wait3A_65 = tpu.memref_slice %arg2[%add3A, %dma_wait3A_64] : memref<64x128xi32, #tpu.memory_space<hbm>> -> memref<2x128xi32, #tpu.memory_space<hbm>>
      %dma_wait3A_66 = arith.constant 0 : i32
      %dma_wait3A_67 = tpu.memref_slice %arg2[%add3A, %dma_wait3A_66] : memref<64x128xi32, #tpu.memory_space<hbm>> -> memref<2x128xi32, #tpu.memory_space<hbm>>
      tpu.wait_dma2 semaphore(%run_scoped3A_59 : memref<!tpu.dma_semaphore, #tpu.memory_space<semaphore_mem>>) src(%dma_wait3A_67 : memref<2x128xi32, #tpu.memory_space<hbm>>) dst(%arg8 : memref<2x128xi32, #tpu.memory_space<vmem>>)
      tpu.yield
    }) : () -> ()
    "tpu.region"() ({
      %run_scoped3A_59 = tpu.sem_alloc : memref<!tpu.dma_semaphore, #tpu.memory_space<semaphore_mem>>
      %dma_start3A_60 = arith.constant 0 : i32
      %dma_start3A_61 = tpu.memref_slice %arg3[%add3A, %dma_start3A_60] : memref<64x128xi32, #tpu.memory_space<hbm>> -> memref<2x128xi32, #tpu.memory_space<hbm>>
      %dma_start3A_62 = arith.constant 0 : i32
      %dma_start3A_63 = tpu.memref_slice %arg3[%add3A, %dma_start3A_62] : memref<64x128xi32, #tpu.memory_space<hbm>> -> memref<2x128xi32, #tpu.memory_space<hbm>>
      tpu.enqueue_dma source(%dma_start3A_63 : memref<2x128xi32, #tpu.memory_space<hbm>>) target(%arg9 : memref<2x128xi32, #tpu.memory_space<vmem>>) target_semaphore(%run_scoped3A_59 : memref<!tpu.dma_semaphore, #tpu.memory_space<semaphore_mem>>)
      %dma_wait3A_64 = arith.constant 0 : i32
      %dma_wait3A_65 = tpu.memref_slice %arg3[%add3A, %dma_wait3A_64] : memref<64x128xi32, #tpu.memory_space<hbm>> -> memref<2x128xi32, #tpu.memory_space<hbm>>
      %dma_wait3A_66 = arith.constant 0 : i32
      %dma_wait3A_67 = tpu.memref_slice %arg3[%add3A, %dma_wait3A_66] : memref<64x128xi32, #tpu.memory_space<hbm>> -> memref<2x128xi32, #tpu.memory_space<hbm>>
      tpu.wait_dma2 semaphore(%run_scoped3A_59 : memref<!tpu.dma_semaphore, #tpu.memory_space<semaphore_mem>>) src(%dma_wait3A_67 : memref<2x128xi32, #tpu.memory_space<hbm>>) dst(%arg9 : memref<2x128xi32, #tpu.memory_space<vmem>>)
      tpu.yield
    }) : () -> ()
    "tpu.region"() ({
      %run_scoped3A_59 = tpu.sem_alloc : memref<!tpu.dma_semaphore, #tpu.memory_space<semaphore_mem>>
      %dma_start3A_60 = arith.constant 0 : i32
      %dma_start3A_61 = tpu.memref_slice %arg4[%add3A_7, %dma_start3A_60] : memref<8192x48xf32, #tpu.memory_space<hbm>> -> memref<256x48xf32, #tpu.memory_space<hbm>>
      %dma_start3A_62 = arith.constant 0 : i32
      %dma_start3A_63 = tpu.memref_slice %arg4[%add3A_7, %dma_start3A_62] : memref<8192x48xf32, #tpu.memory_space<hbm>> -> memref<256x48xf32, #tpu.memory_space<hbm>>
      tpu.enqueue_dma source(%dma_start3A_63 : memref<256x48xf32, #tpu.memory_space<hbm>>) target(%arg10 : memref<256x48xf32, #tpu.memory_space<vmem>>) target_semaphore(%run_scoped3A_59 : memref<!tpu.dma_semaphore, #tpu.memory_space<semaphore_mem>>)
      %dma_wait3A_64 = arith.constant 0 : i32
      %dma_wait3A_65 = tpu.memref_slice %arg4[%add3A_7, %dma_wait3A_64] : memref<8192x48xf32, #tpu.memory_space<hbm>> -> memref<256x48xf32, #tpu.memory_space<hbm>>
      %dma_wait3A_66 = arith.constant 0 : i32
      %dma_wait3A_67 = tpu.memref_slice %arg4[%add3A_7, %dma_wait3A_66] : memref<8192x48xf32, #tpu.memory_space<hbm>> -> memref<256x48xf32, #tpu.memory_space<hbm>>
      tpu.wait_dma2 semaphore(%run_scoped3A_59 : memref<!tpu.dma_semaphore, #tpu.memory_space<semaphore_mem>>) src(%dma_wait3A_67 : memref<256x48xf32, #tpu.memory_space<hbm>>) dst(%arg10 : memref<256x48xf32, #tpu.memory_space<vmem>>)
      tpu.yield
    }) : () -> ()
    %scan3A = arith.constant 0 : i32
    %scan3A_10 = arith.constant 0 : i32
    %scan3A_11 = arith.constant 512 : i32
    %scan3A_12 = arith.addi %scan3A_10, %scan3A_11 : i32
    %scan3A_13 = arith.constant 1 : i32
    %scan3A_14 = scf.for %scan3A_59 = %scan3A_10 to %scan3A_12 step %scan3A_13 iter_args(%scan3A_60 = %scan3A) -> (i32)  : i32 {
      %broadcast_in_dim3A = arith.constant 0.000000e+00 : f32
      %broadcast_in_dim3A_61 = vector.broadcast %broadcast_in_dim3A : f32 to vector<16xf32>
      %swap3A = arith.index_cast %scan3A_59 : i32 to index
      %swap3A_62 = arith.constant 0 : index
      %swap3A_63 = tpu.vector_load %arg12[%swap3A, %swap3A_62] {strides = array<i32>} : memref<512x48xf32, #tpu.memory_space<vmem>>, vector<1x16xf32>,
      %swap3A_64 = vector.shape_cast %swap3A_63 : vector<1x16xf32> to vector<16xf32>
      %swap3A_65 = vector.shape_cast %broadcast_in_dim3A_61 : vector<16xf32> to vector<1x16xf32>
      tpu.vector_store %arg12[%swap3A, %swap3A_62], %swap3A_65 {strides = array<i32>} : memref<512x48xf32, #tpu.memory_space<vmem>>, vector<1x16xf32>,
      %broadcast_in_dim3A_66 = arith.constant 0.000000e+00 : f32
      %broadcast_in_dim3A_67 = vector.broadcast %broadcast_in_dim3A_66 : f32 to vector<16xf32>
      %swap3A_68 = arith.index_cast %scan3A_59 : i32 to index
      %swap3A_69 = arith.constant 16 : index
      %swap3A_70 = tpu.vector_load %arg12[%swap3A_68, %swap3A_69] {strides = array<i32>} : memref<512x48xf32, #tpu.memory_space<vmem>>, vector<1x16xf32>,
      %swap3A_71 = vector.shape_cast %swap3A_70 : vector<1x16xf32> to vector<16xf32>
      %swap3A_72 = vector.shape_cast %broadcast_in_dim3A_67 : vector<16xf32> to vector<1x16xf32>
      tpu.vector_store %arg12[%swap3A_68, %swap3A_69], %swap3A_72 {strides = array<i32>} : memref<512x48xf32, #tpu.memory_space<vmem>>, vector<1x16xf32>,
      %broadcast_in_dim3A_73 = arith.constant 0.000000e+00 : f32
      %broadcast_in_dim3A_74 = vector.broadcast %broadcast_in_dim3A_73 : f32 to vector<16xf32>
      %swap3A_75 = arith.index_cast %scan3A_59 : i32 to index
      %swap3A_76 = arith.constant 32 : index
      %swap3A_77 = tpu.vector_load %arg12[%swap3A_75, %swap3A_76] {strides = array<i32>} : memref<512x48xf32, #tpu.memory_space<vmem>>, vector<1x16xf32>,
      %swap3A_78 = vector.shape_cast %swap3A_77 : vector<1x16xf32> to vector<16xf32>
      %swap3A_79 = vector.shape_cast %broadcast_in_dim3A_74 : vector<16xf32> to vector<1x16xf32>
      tpu.vector_store %arg12[%swap3A_75, %swap3A_76], %swap3A_79 {strides = array<i32>} : memref<512x48xf32, #tpu.memory_space<vmem>>, vector<1x16xf32>,
      %scan3A_80 = arith.constant 0 : i32
      scf.yield %scan3A_80 : i32
    }
    %scan3A_15 = arith.constant 512 : i32
    "tpu.region"() ({
      %run_scoped3A_59 = tpu.sem_alloc : memref<!tpu.dma_semaphore, #tpu.memory_space<semaphore_mem>>
      %dma_start3A_60 = arith.constant 0 : i32
      %dma_start3A_61 = tpu.memref_slice %arg13[%mul3A_9, %dma_start3A_60] : memref<8192x48xf32, #tpu.memory_space<vmem_shared>> -> memref<512x48xf32, #tpu.memory_space<vmem_shared>>
      %dma_start3A_62 = arith.constant 0 : i32
      %dma_start3A_63 = tpu.memref_slice %arg13[%mul3A_9, %dma_start3A_62] : memref<8192x48xf32, #tpu.memory_space<vmem_shared>> -> memref<512x48xf32, #tpu.memory_space<vmem_shared>>
      tpu.enqueue_dma source(%arg12 : memref<512x48xf32, #tpu.memory_space<vmem>>) target(%dma_start3A_63 : memref<512x48xf32, #tpu.memory_space<vmem_shared>>) target_semaphore(%run_scoped3A_59 : memref<!tpu.dma_semaphore, #tpu.memory_space<semaphore_mem>>)
      %dma_wait3A_64 = arith.constant 0 : i32
      %dma_wait3A_65 = tpu.memref_slice %arg13[%mul3A_9, %dma_wait3A_64] : memref<8192x48xf32, #tpu.memory_space<vmem_shared>> -> memref<512x48xf32, #tpu.memory_space<vmem_shared>>
      %dma_wait3A_66 = arith.constant 0 : i32
      %dma_wait3A_67 = tpu.memref_slice %arg13[%mul3A_9, %dma_wait3A_66] : memref<8192x48xf32, #tpu.memory_space<vmem_shared>> -> memref<512x48xf32, #tpu.memory_space<vmem_shared>>
      tpu.wait_dma2 semaphore(%run_scoped3A_59 : memref<!tpu.dma_semaphore, #tpu.memory_space<semaphore_mem>>) src(%arg12 : memref<512x48xf32, #tpu.memory_space<vmem>>) dst(%dma_wait3A_67 : memref<512x48xf32, #tpu.memory_space<vmem_shared>>)
      tpu.yield
    }) : () -> ()
    %barrier3A = arith.constant 0 : index
    tpu.barrier barrier_id(%barrier3A)
    %run_scoped3A = arith.constant 0 : i32
    "tpu.region"() ({
      %run_scoped3A_59 = tpu.sem_alloc : memref<!tpu.dma_semaphore, #tpu.memory_space<semaphore_mem>>
      %dma_start3A_60 = arith.constant 0 : i32
      %dma_start3A_61 = arith.constant 0 : i32
      %dma_start3A_62 = tpu.memref_slice %arg10[%dma_start3A_60, %dma_start3A_61] : memref<256x48xf32, #tpu.memory_space<vmem>> -> memref<128x48xf32, #tpu.memory_space<vmem>>
      %dma_start3A_63 = arith.constant 0 : i32
      %dma_start3A_64 = tpu.memref_slice %arg8[%run_scoped3A, %dma_start3A_63] : memref<2x128xi32, #tpu.memory_space<vmem>> -> memref<1x128xi32, #tpu.memory_space<vmem>>
      %dma_start3A_65 = tpu.memref_squeeze %dma_start3A_64 : memref<1x128xi32, #tpu.memory_space<vmem>> -> memref<128xi32, #tpu.memory_space<vmem>>
      %dma_start3A_66 = arith.constant 0 : i32
      %dma_start3A_67 = arith.constant 0 : i32
      %dma_start3A_68 = tpu.memref_slice %arg13[%dma_start3A_66, %dma_start3A_67] : memref<8192x48xf32, #tpu.memory_space<vmem_shared>> -> memref<8192x48xf32, #tpu.memory_space<vmem_shared>>
      tpu.enqueue_indirect_dma source(%dma_start3A_62 : memref<128x48xf32, #tpu.memory_space<vmem>>) target(%dma_start3A_68 : memref<8192x48xf32, #tpu.memory_space<vmem_shared>>) offsets(%dma_start3A_65 : memref<128xi32, #tpu.memory_space<vmem>>) semaphore(%run_scoped3A_59 : memref<!tpu.dma_semaphore, #tpu.memory_space<semaphore_mem>>) {add = true}
      %dma_wait3A_69 = arith.constant 0 : i32
      %dma_wait3A_70 = arith.constant 0 : i32
      %dma_wait3A_71 = tpu.memref_slice %arg10[%dma_wait3A_69, %dma_wait3A_70] : memref<256x48xf32, #tpu.memory_space<vmem>> -> memref<128x48xf32, #tpu.memory_space<vmem>>
      %dma_wait3A_72 = arith.constant 0 : i32
      %dma_wait3A_73 = tpu.memref_slice %arg8[%run_scoped3A, %dma_wait3A_72] : memref<2x128xi32, #tpu.memory_space<vmem>> -> memref<1x128xi32, #tpu.memory_space<vmem>>
      %dma_wait3A_74 = tpu.memref_squeeze %dma_wait3A_73 : memref<1x128xi32, #tpu.memory_space<vmem>> -> memref<128xi32, #tpu.memory_space<vmem>>
      %dma_wait3A_75 = arith.constant 0 : i32
      %dma_wait3A_76 = arith.constant 0 : i32
      %dma_wait3A_77 = tpu.memref_slice %arg13[%dma_wait3A_75, %dma_wait3A_76] : memref<8192x48xf32, #tpu.memory_space<vmem_shared>> -> memref<8192x48xf32, #tpu.memory_space<vmem_shared>>
      tpu.wait_indirect_dma semaphore(%run_scoped3A_59 : memref<!tpu.dma_semaphore, #tpu.memory_space<semaphore_mem>>) src(%dma_wait3A_71 : memref<128x48xf32, #tpu.memory_space<vmem>>) dst(%dma_wait3A_77 : memref<8192x48xf32, #tpu.memory_space<vmem_shared>>)
      tpu.yield
    }) : () -> ()
    %run_scoped3A_16 = arith.constant 1 : i32
    "tpu.region"() ({
      %run_scoped3A_59 = tpu.sem_alloc : memref<!tpu.dma_semaphore, #tpu.memory_space<semaphore_mem>>
      %dma_start3A_60 = arith.constant 128 : i32
      %dma_start3A_61 = arith.constant 0 : i32
      %dma_start3A_62 = tpu.memref_slice %arg10[%dma_start3A_60, %dma_start3A_61] : memref<256x48xf32, #tpu.memory_space<vmem>> -> memref<128x48xf32, #tpu.memory_space<vmem>>
      %dma_start3A_63 = arith.constant 0 : i32
      %dma_start3A_64 = tpu.memref_slice %arg8[%run_scoped3A_16, %dma_start3A_63] : memref<2x128xi32, #tpu.memory_space<vmem>> -> memref<1x128xi32, #tpu.memory_space<vmem>>
      %dma_start3A_65 = tpu.memref_squeeze %dma_start3A_64 : memref<1x128xi32, #tpu.memory_space<vmem>> -> memref<128xi32, #tpu.memory_space<vmem>>
      %dma_start3A_66 = arith.constant 0 : i32
      %dma_start3A_67 = arith.constant 0 : i32
      %dma_start3A_68 = tpu.memref_slice %arg13[%dma_start3A_66, %dma_start3A_67] : memref<8192x48xf32, #tpu.memory_space<vmem_shared>> -> memref<8192x48xf32, #tpu.memory_space<vmem_shared>>
      tpu.enqueue_indirect_dma source(%dma_start3A_62 : memref<128x48xf32, #tpu.memory_space<vmem>>) target(%dma_start3A_68 : memref<8192x48xf32, #tpu.memory_space<vmem_shared>>) offsets(%dma_start3A_65 : memref<128xi32, #tpu.memory_space<vmem>>) semaphore(%run_scoped3A_59 : memref<!tpu.dma_semaphore, #tpu.memory_space<semaphore_mem>>) {add = true}
      %dma_wait3A_69 = arith.constant 128 : i32
      %dma_wait3A_70 = arith.constant 0 : i32
      %dma_wait3A_71 = tpu.memref_slice %arg10[%dma_wait3A_69, %dma_wait3A_70] : memref<256x48xf32, #tpu.memory_space<vmem>> -> memref<128x48xf32, #tpu.memory_space<vmem>>
      %dma_wait3A_72 = arith.constant 0 : i32
      %dma_wait3A_73 = tpu.memref_slice %arg8[%run_scoped3A_16, %dma_wait3A_72] : memref<2x128xi32, #tpu.memory_space<vmem>> -> memref<1x128xi32, #tpu.memory_space<vmem>>
      %dma_wait3A_74 = tpu.memref_squeeze %dma_wait3A_73 : memref<1x128xi32, #tpu.memory_space<vmem>> -> memref<128xi32, #tpu.memory_space<vmem>>
      %dma_wait3A_75 = arith.constant 0 : i32
      %dma_wait3A_76 = arith.constant 0 : i32
      %dma_wait3A_77 = tpu.memref_slice %arg13[%dma_wait3A_75, %dma_wait3A_76] : memref<8192x48xf32, #tpu.memory_space<vmem_shared>> -> memref<8192x48xf32, #tpu.memory_space<vmem_shared>>
      tpu.wait_indirect_dma semaphore(%run_scoped3A_59 : memref<!tpu.dma_semaphore, #tpu.memory_space<semaphore_mem>>) src(%dma_wait3A_71 : memref<128x48xf32, #tpu.memory_space<vmem>>) dst(%dma_wait3A_77 : memref<8192x48xf32, #tpu.memory_space<vmem_shared>>)
      tpu.yield
    }) : () -> ()
    %barrier3A_17 = arith.constant 0 : index
    tpu.barrier barrier_id(%barrier3A_17)
    %mul3A_18 = arith.constant 8192 : i32
    %mul3A_19 = arith.muli %arg0, %mul3A_18 : i32
    %add3A_20 = arith.addi %mul3A_19, %mul3A_9 : i32
    "tpu.region"() ({
      %run_scoped3A_59 = tpu.sem_alloc : memref<!tpu.dma_semaphore, #tpu.memory_space<semaphore_mem>>
      %dma_start3A_60 = arith.constant 0 : i32
      %dma_start3A_61 = tpu.memref_slice %arg6[%add3A_20, %dma_start3A_60] : memref<16384x48xf32, #tpu.memory_space<hbm>> -> memref<512x48xf32, #tpu.memory_space<hbm>>
      %dma_start3A_62 = arith.constant 0 : i32
      %dma_start3A_63 = tpu.memref_slice %arg13[%mul3A_9, %dma_start3A_62] : memref<8192x48xf32, #tpu.memory_space<vmem_shared>> -> memref<512x48xf32, #tpu.memory_space<vmem_shared>>
      tpu.enqueue_dma source(%dma_start3A_63 : memref<512x48xf32, #tpu.memory_space<vmem_shared>>) target(%dma_start3A_61 : memref<512x48xf32, #tpu.memory_space<hbm>>) target_semaphore(%run_scoped3A_59 : memref<!tpu.dma_semaphore, #tpu.memory_space<semaphore_mem>>)
      %dma_wait3A_64 = arith.constant 0 : i32
      %dma_wait3A_65 = tpu.memref_slice %arg6[%add3A_20, %dma_wait3A_64] : memref<16384x48xf32, #tpu.memory_space<hbm>> -> memref<512x48xf32, #tpu.memory_space<hbm>>
      %dma_wait3A_66 = arith.constant 0 : i32
      %dma_wait3A_67 = tpu.memref_slice %arg13[%mul3A_9, %dma_wait3A_66] : memref<8192x48xf32, #tpu.memory_space<vmem_shared>> -> memref<512x48xf32, #tpu.memory_space<vmem_shared>>
      tpu.wait_dma2 semaphore(%run_scoped3A_59 : memref<!tpu.dma_semaphore, #tpu.memory_space<semaphore_mem>>) src(%dma_wait3A_67 : memref<512x48xf32, #tpu.memory_space<vmem_shared>>) dst(%dma_wait3A_65 : memref<512x48xf32, #tpu.memory_space<hbm>>)
      tpu.yield
    }) : () -> ()
    %dma_start3A = arith.constant 0 : i32
    %dma_start3A_21 = arith.constant 0 : i32
    %dma_start3A_22 = arith.constant 0 : i32
    %dma_start3A_23 = tpu.memref_slice %arg11[%dma_start3A_21, %dma_start3A_22] : memref<256x32xf32, #tpu.memory_space<vmem>> -> memref<128x32xf32, #tpu.memory_space<vmem>>
    %dma_start3A_24 = arith.constant 0 : i32
    %dma_start3A_25 = tpu.memref_slice %arg9[%dma_start3A, %dma_start3A_24] : memref<2x128xi32, #tpu.memory_space<vmem>> -> memref<1x128xi32, #tpu.memory_space<vmem>>
    %dma_start3A_26 = tpu.memref_squeeze %dma_start3A_25 : memref<1x128xi32, #tpu.memory_space<vmem>> -> memref<128xi32, #tpu.memory_space<vmem>>
    %dma_start3A_27 = arith.constant 0 : i32
    %dma_start3A_28 = arith.constant 0 : i32
    %dma_start3A_29 = tpu.memref_slice %arg5[%dma_start3A_27, %dma_start3A_28] : memref<16384x32xf32, #tpu.memory_space<hbm>> -> memref<16384x32xf32, #tpu.memory_space<hbm>>
    tpu.enqueue_indirect_dma source(%dma_start3A_29 : memref<16384x32xf32, #tpu.memory_space<hbm>>) target(%dma_start3A_23 : memref<128x32xf32, #tpu.memory_space<vmem>>) offsets(%dma_start3A_26 : memref<128xi32, #tpu.memory_space<vmem>>) semaphore(%arg14 : memref<!tpu.dma_semaphore, #tpu.memory_space<semaphore_mem>>)
    %dma_wait3A = arith.constant 0 : i32
    %dma_wait3A_30 = arith.constant 0 : i32
    %dma_wait3A_31 = arith.constant 0 : i32
    %dma_wait3A_32 = tpu.memref_slice %arg11[%dma_wait3A_30, %dma_wait3A_31] : memref<256x32xf32, #tpu.memory_space<vmem>> -> memref<128x32xf32, #tpu.memory_space<vmem>>
    %dma_wait3A_33 = arith.constant 0 : i32
    %dma_wait3A_34 = tpu.memref_slice %arg9[%dma_wait3A, %dma_wait3A_33] : memref<2x128xi32, #tpu.memory_space<vmem>> -> memref<1x128xi32, #tpu.memory_space<vmem>>
    %dma_wait3A_35 = tpu.memref_squeeze %dma_wait3A_34 : memref<1x128xi32, #tpu.memory_space<vmem>> -> memref<128xi32, #tpu.memory_space<vmem>>
    %dma_wait3A_36 = arith.constant 0 : i32
    %dma_wait3A_37 = arith.constant 0 : i32
    %dma_wait3A_38 = tpu.memref_slice %arg5[%dma_wait3A_36, %dma_wait3A_37] : memref<16384x32xf32, #tpu.memory_space<hbm>> -> memref<16384x32xf32, #tpu.memory_space<hbm>>
    tpu.wait_indirect_dma semaphore(%arg14 : memref<!tpu.dma_semaphore, #tpu.memory_space<semaphore_mem>>) src(%dma_wait3A_38 : memref<16384x32xf32, #tpu.memory_space<hbm>>) dst(%dma_wait3A_32 : memref<128x32xf32, #tpu.memory_space<vmem>>)
    %dma_start3A_39 = arith.constant 1 : i32
    %dma_start3A_40 = arith.constant 128 : i32
    %dma_start3A_41 = arith.constant 0 : i32
    %dma_start3A_42 = tpu.memref_slice %arg11[%dma_start3A_40, %dma_start3A_41] : memref<256x32xf32, #tpu.memory_space<vmem>> -> memref<128x32xf32, #tpu.memory_space<vmem>>
    %dma_start3A_43 = arith.constant 0 : i32
    %dma_start3A_44 = tpu.memref_slice %arg9[%dma_start3A_39, %dma_start3A_43] : memref<2x128xi32, #tpu.memory_space<vmem>> -> memref<1x128xi32, #tpu.memory_space<vmem>>
    %dma_start3A_45 = tpu.memref_squeeze %dma_start3A_44 : memref<1x128xi32, #tpu.memory_space<vmem>> -> memref<128xi32, #tpu.memory_space<vmem>>
    %dma_start3A_46 = arith.constant 0 : i32
    %dma_start3A_47 = arith.constant 0 : i32
    %dma_start3A_48 = tpu.memref_slice %arg5[%dma_start3A_46, %dma_start3A_47] : memref<16384x32xf32, #tpu.memory_space<hbm>> -> memref<16384x32xf32, #tpu.memory_space<hbm>>
    tpu.enqueue_indirect_dma source(%dma_start3A_48 : memref<16384x32xf32, #tpu.memory_space<hbm>>) target(%dma_start3A_42 : memref<128x32xf32, #tpu.memory_space<vmem>>) offsets(%dma_start3A_45 : memref<128xi32, #tpu.memory_space<vmem>>) semaphore(%arg14 : memref<!tpu.dma_semaphore, #tpu.memory_space<semaphore_mem>>)
    %dma_wait3A_49 = arith.constant 1 : i32
    %dma_wait3A_50 = arith.constant 128 : i32
    %dma_wait3A_51 = arith.constant 0 : i32
    %dma_wait3A_52 = tpu.memref_slice %arg11[%dma_wait3A_50, %dma_wait3A_51] : memref<256x32xf32, #tpu.memory_space<vmem>> -> memref<128x32xf32, #tpu.memory_space<vmem>>
    %dma_wait3A_53 = arith.constant 0 : i32
    %dma_wait3A_54 = tpu.memref_slice %arg9[%dma_wait3A_49, %dma_wait3A_53] : memref<2x128xi32, #tpu.memory_space<vmem>> -> memref<1x128xi32, #tpu.memory_space<vmem>>
    %dma_wait3A_55 = tpu.memref_squeeze %dma_wait3A_54 : memref<1x128xi32, #tpu.memory_space<vmem>> -> memref<128xi32, #tpu.memory_space<vmem>>
    %dma_wait3A_56 = arith.constant 0 : i32
    %dma_wait3A_57 = arith.constant 0 : i32
    %dma_wait3A_58 = tpu.memref_slice %arg5[%dma_wait3A_56, %dma_wait3A_57] : memref<16384x32xf32, #tpu.memory_space<hbm>> -> memref<16384x32xf32, #tpu.memory_space<hbm>>
    tpu.wait_indirect_dma semaphore(%arg14 : memref<!tpu.dma_semaphore, #tpu.memory_space<semaphore_mem>>) src(%dma_wait3A_58 : memref<16384x32xf32, #tpu.memory_space<hbm>>) dst(%dma_wait3A_52 : memref<128x32xf32, #tpu.memory_space<vmem>>)
    "tpu.region"() ({
      %run_scoped3A_59 = tpu.sem_alloc : memref<!tpu.dma_semaphore, #tpu.memory_space<semaphore_mem>>
      %dma_start3A_60 = arith.constant 0 : i32
      %dma_start3A_61 = tpu.memref_slice %arg7[%add3A_7, %dma_start3A_60] : memref<8192x32xf32, #tpu.memory_space<hbm>> -> memref<256x32xf32, #tpu.memory_space<hbm>>
      %dma_start3A_62 = arith.constant 0 : i32
      %dma_start3A_63 = tpu.memref_slice %arg7[%add3A_7, %dma_start3A_62] : memref<8192x32xf32, #tpu.memory_space<hbm>> -> memref<256x32xf32, #tpu.memory_space<hbm>>
      tpu.enqueue_dma source(%arg11 : memref<256x32xf32, #tpu.memory_space<vmem>>) target(%dma_start3A_63 : memref<256x32xf32, #tpu.memory_space<hbm>>) target_semaphore(%run_scoped3A_59 : memref<!tpu.dma_semaphore, #tpu.memory_space<semaphore_mem>>)
      %dma_wait3A_64 = arith.constant 0 : i32
      %dma_wait3A_65 = tpu.memref_slice %arg7[%add3A_7, %dma_wait3A_64] : memref<8192x32xf32, #tpu.memory_space<hbm>> -> memref<256x32xf32, #tpu.memory_space<hbm>>
      %dma_wait3A_66 = arith.constant 0 : i32
      %dma_wait3A_67 = tpu.memref_slice %arg7[%add3A_7, %dma_wait3A_66] : memref<8192x32xf32, #tpu.memory_space<hbm>> -> memref<256x32xf32, #tpu.memory_space<hbm>>
      tpu.wait_dma2 semaphore(%run_scoped3A_59 : memref<!tpu.dma_semaphore, #tpu.memory_space<semaphore_mem>>) src(%arg11 : memref<256x32xf32, #tpu.memory_space<vmem>>) dst(%dma_wait3A_67 : memref<256x32xf32, #tpu.memory_space<hbm>>)
      tpu.yield
    }) : () -> ()
    return
  }
}

module attributes {stable_mosaic.version = 14 : i64} {
  func.func @_argmin_body(%arg0: i32, %arg1: i32, %arg2: memref<1x256x32xf32, #tpu.memory_space<vmem>>, %arg3: memref<1x8192x32xf32, #tpu.memory_space<vmem>>, %arg4: memref<1x1x8192xf32, #tpu.memory_space<vmem>>, %arg5: memref<1x1x256xf32, #tpu.memory_space<vmem>>, %arg6: memref<1x2x128xi32, #tpu.memory_space<vmem>>, %arg7: memref<1x2x128xi32, #tpu.memory_space<vmem>>, %arg8: memref<1x256x48xf32, #tpu.memory_space<vmem>>, %arg9: memref<1x1xf32, #tpu.memory_space<vmem>>, %arg10: memref<32x8192xf32, #tpu.memory_space<vmem>>) attributes {dimension_semantics = [#tpu.dimension_semantics<arbitrary>, #tpu.dimension_semantics<arbitrary>], iteration_bounds = array<i64: 2, 16>, scalar_prefetch = 0 : i64, scratch_operands = 1 : i64, tpu.core_type = #tpu.core_type<tc>, window_params = [{transform_indices = @transform_0, window_bounds = array<i64: 1, 256, 32>}, {transform_indices = @transform_1, window_bounds = array<i64: 1, 8192, 32>}, {transform_indices = @transform_2, window_bounds = array<i64: 1, 1, 8192>}, {transform_indices = @transform_3, window_bounds = array<i64: 1, 1, 256>}, {transform_indices = @transform_4, window_bounds = array<i64: 1, 2, 128>}, {transform_indices = @transform_5, window_bounds = array<i64: 1, 2, 128>}, {transform_indices = @transform_6, window_bounds = array<i64: 1, 256, 48>}, {pipeline_mode = #tpu.pipeline_mode<synchronous>, transform_indices = @transform_7, window_bounds = array<i64: 1, 1>}]} {
    %eq3A = arith.constant 0 : i32
    %eq3A_0 = arith.cmpi eq, %arg0, %eq3A : i32
    %eq3A_1 = arith.constant 0 : i32
    %eq3A_2 = arith.cmpi eq, %arg1, %eq3A_1 : i32
    %and3A = arith.andi %eq3A_0, %eq3A_2 : i1
    %eq3A_3 = arith.constant 1 : i32
    %eq3A_4 = arith.cmpi eq, %arg0, %eq3A_3 : i32
    %eq3A_5 = arith.constant 15 : i32
    %eq3A_6 = arith.cmpi eq, %arg1, %eq3A_5 : i32
    %and3A_7 = arith.andi %eq3A_4, %eq3A_6 : i1
    %get3A = arith.constant 0 : index
    %get3A_8 = arith.constant 0 : index
    %get3A_9 = arith.constant 0 : index
    %get3A_10 = vector.load %arg2[%get3A, %get3A_8, %get3A_9] : memref<1x256x32xf32, #tpu.memory_space<vmem>>, vector<1x256x32xf32>
    %get3A_11 = vector.shape_cast %get3A_10 : vector<1x256x32xf32> to vector<256x32xf32>
    %eq3A_12 = arith.constant 0 : i32
    %eq3A_13 = arith.cmpi eq, %arg1, %eq3A_12 : i32
    %convert_element_type3A = arith.extui %eq3A_13 : i1 to i32
    %cond3A = arith.constant 0 : i32
    %cond3A_14 = arith.cmpi ne, %convert_element_type3A, %cond3A : i32
    scf.if %cond3A_14 {
      %get3A_85 = arith.constant 0 : index
      %get3A_86 = arith.constant 0 : index
      %get3A_87 = arith.constant 0 : index
      %get3A_88 = vector.load %arg3[%get3A_85, %get3A_86, %get3A_87] : memref<1x8192x32xf32, #tpu.memory_space<vmem>>, vector<1x8192x32xf32>
      %get3A_89 = vector.shape_cast %get3A_88 : vector<1x8192x32xf32> to vector<8192x32xf32>
      %transpose3A = tpu.transpose %get3A_89, [1, 0] : vector<8192x32xf32> -> vector<32x8192xf32>
      %swap3A_90 = arith.constant 0 : index
      %swap3A_91 = arith.constant 0 : index
      %swap3A_92 = vector.load %arg10[%swap3A_90, %swap3A_91] : memref<32x8192xf32, #tpu.memory_space<vmem>>, vector<32x8192xf32>
      tpu.vector_store %arg10[%swap3A_90, %swap3A_91], %transpose3A {strides = array<i32>} : memref<32x8192xf32, #tpu.memory_space<vmem>>, vector<32x8192xf32>,
    } else {
    }
    %get3A_15 = arith.constant 0 : index
    %get3A_16 = arith.constant 0 : index
    %get3A_17 = vector.load %arg10[%get3A_15, %get3A_16] : memref<32x8192xf32, #tpu.memory_space<vmem>>, vector<32x8192xf32>
    %dot_general3A = arith.constant dense<0.000000e+00> : vector<256x8192xf32>
    %dot_general3A_18 = tpu.matmul %get3A_11, %get3A_17, %dot_general3A {dimension_numbers = #tpu.dot_dimension_numbers<[1], [0], [0], [1], [0, 0, 1, 1], [], []>, transpose_lhs_hint = false} : vector<256x32xf32>, vector<32x8192xf32>, vector<256x8192xf32> -> vector<256x8192xf32>
    %get3A_19 = arith.constant 0 : index
    %get3A_20 = arith.constant 0 : index
    %get3A_21 = arith.constant 0 : index
    %get3A_22 = vector.load %arg4[%get3A_19, %get3A_20, %get3A_21] : memref<1x1x8192xf32, #tpu.memory_space<vmem>>, vector<1x1x8192xf32>
    %get3A_23 = vector.shape_cast %get3A_22 : vector<1x1x8192xf32> to vector<1x8192xf32>
    %get3A_24 = arith.constant 0 : index
    %get3A_25 = arith.constant 0 : index
    %get3A_26 = arith.constant 0 : index
    %get3A_27 = vector.load %arg5[%get3A_24, %get3A_25, %get3A_26] : memref<1x1x256xf32, #tpu.memory_space<vmem>>, vector<1x1x256xf32>
    %get3A_28 = vector.shape_cast %get3A_27 : vector<1x1x256xf32> to vector<1x256xf32>
    %reshape3A = vector.shape_cast %get3A_28 : vector<1x256xf32> to vector<256x1xf32>
    %add3A = vector.broadcast %get3A_23 : vector<1x8192xf32> to vector<256x8192xf32>
    %add3A_29 = vector.broadcast %reshape3A : vector<256x1xf32> to vector<256x8192xf32>
    %add3A_30 = arith.addf %add3A, %add3A_29 : vector<256x8192xf32>
    %mul3A = arith.constant -2.000000e+00 : f32
    %mul3A_31 = vector.broadcast %mul3A : f32 to vector<256x8192xf32>
    %mul3A_32 = arith.mulf %mul3A_31, %dot_general3A_18 : vector<256x8192xf32>
    %add3A_33 = arith.addf %add3A_30, %mul3A_32 : vector<256x8192xf32>
    %reduce_min3A = arith.constant dense<0x7F800000> : vector<256xf32>
    %reduce_min3A_34 = vector.multi_reduction <minimumf>, %add3A_33, %reduce_min3A [1] : vector<256x8192xf32> to vector<256xf32>
    %broadcast_in_dim3A = vector.shape_cast %reduce_min3A_34 : vector<256xf32> to vector<256x1xf32>
    %iota3A = tpu.iota {dimensions = array<i32: 1>} : vector<256x8192xi32>
    %eq3A_35 = vector.broadcast %broadcast_in_dim3A : vector<256x1xf32> to vector<256x8192xf32>
    %eq3A_36 = arith.cmpf oeq, %add3A_33, %eq3A_35 : vector<256x8192xf32>
    %jit3A = arith.constant 8192 : i32
    %broadcast_in_dim3A_37 = vector.broadcast %jit3A : i32 to vector<256x8192xi32>
    %select_n3A = arith.select %eq3A_36, %iota3A, %broadcast_in_dim3A_37 : vector<256x8192xi1>, vector<256x8192xi32>
    %reduce_min3A_38 = arith.constant dense<2147483647> : vector<256xi32>
    %reduce_min3A_39 = vector.multi_reduction <minsi>, %select_n3A, %reduce_min3A_38 [1] : vector<256x8192xi32> to vector<256xi32>
    %reshape3A_40 = vector.shape_cast %reduce_min3A_39 : vector<256xi32> to vector<2x128xi32>
    %swap3A = arith.constant 0 : index
    %swap3A_41 = arith.constant 0 : index
    %swap3A_42 = arith.constant 0 : index
    %swap3A_43 = vector.load %arg6[%swap3A, %swap3A_41, %swap3A_42] : memref<1x2x128xi32, #tpu.memory_space<vmem>>, vector<1x2x128xi32>
    %swap3A_44 = vector.shape_cast %swap3A_43 : vector<1x2x128xi32> to vector<2x128xi32>
    %swap3A_45 = vector.shape_cast %reshape3A_40 : vector<2x128xi32> to vector<1x2x128xi32>
    tpu.vector_store %arg6[%swap3A, %swap3A_41, %swap3A_42], %swap3A_45 {strides = array<i32>} : memref<1x2x128xi32, #tpu.memory_space<vmem>>, vector<1x2x128xi32>,
    %mul3A_46 = arith.constant 8192 : i32
    %mul3A_47 = arith.muli %arg0, %mul3A_46 : i32
    %add3A_48 = vector.broadcast %mul3A_47 : i32 to vector<2x128xi32>
    %add3A_49 = arith.addi %reshape3A_40, %add3A_48 : vector<2x128xi32>
    %swap3A_50 = arith.constant 0 : index
    %swap3A_51 = arith.constant 0 : index
    %swap3A_52 = arith.constant 0 : index
    %swap3A_53 = vector.load %arg7[%swap3A_50, %swap3A_51, %swap3A_52] : memref<1x2x128xi32, #tpu.memory_space<vmem>>, vector<1x2x128xi32>
    %swap3A_54 = vector.shape_cast %swap3A_53 : vector<1x2x128xi32> to vector<2x128xi32>
    %swap3A_55 = vector.shape_cast %add3A_49 : vector<2x128xi32> to vector<1x2x128xi32>
    tpu.vector_store %arg7[%swap3A_50, %swap3A_51, %swap3A_52], %swap3A_55 {strides = array<i32>} : memref<1x2x128xi32, #tpu.memory_space<vmem>>, vector<1x2x128xi32>,
    %broadcast_in_dim3A_56 = arith.constant 1.000000e+00 : f32
    %broadcast_in_dim3A_57 = vector.broadcast %broadcast_in_dim3A_56 : f32 to vector<256x1xf32>
    %broadcast_in_dim3A_58 = arith.constant 0.000000e+00 : f32
    %broadcast_in_dim3A_59 = vector.broadcast %broadcast_in_dim3A_58 : f32 to vector<256x15xf32>
    %concatenate3A = tpu.concatenate %get3A_11, %broadcast_in_dim3A_57, %broadcast_in_dim3A_59 in 1 : vector<256x32xf32>, vector<256x1xf32>, vector<256x15xf32> -> vector<256x48xf32>
    %swap3A_60 = arith.constant 0 : index
    %swap3A_61 = arith.constant 0 : index
    %swap3A_62 = arith.constant 0 : index
    %swap3A_63 = vector.load %arg8[%swap3A_60, %swap3A_61, %swap3A_62] : memref<1x256x48xf32, #tpu.memory_space<vmem>>, vector<1x256x48xf32>
    %swap3A_64 = vector.shape_cast %swap3A_63 : vector<1x256x48xf32> to vector<256x48xf32>
    %swap3A_65 = vector.shape_cast %concatenate3A : vector<256x48xf32> to vector<1x256x48xf32>
    tpu.vector_store %arg8[%swap3A_60, %swap3A_61, %swap3A_62], %swap3A_65 {strides = array<i32>} : memref<1x256x48xf32, #tpu.memory_space<vmem>>, vector<1x256x48xf32>,
    %convert_element_type3A_66 = arith.extui %and3A : i1 to i32
    %cond3A_67 = arith.constant 0 : i32
    %cond3A_68 = arith.cmpi ne, %convert_element_type3A_66, %cond3A_67 : i32
    scf.if %cond3A_68 {
      %broadcast_in_dim3A_85 = arith.constant 0.000000e+00 : f32
      %broadcast_in_dim3A_86 = vector.broadcast %broadcast_in_dim3A_85 : f32 to vector<1x1xf32>
      %swap3A_87 = arith.constant 0 : index
      %swap3A_88 = arith.constant 0 : index
      %swap3A_89 = vector.load %arg9[%swap3A_87, %swap3A_88] : memref<1x1xf32, #tpu.memory_space<vmem>>, vector<1x1xf32>
      tpu.vector_store %arg9[%swap3A_87, %swap3A_88], %broadcast_in_dim3A_86 {strides = array<i32>} : memref<1x1xf32, #tpu.memory_space<vmem>>, vector<1x1xf32>,
    } else {
    }
    %get3A_69 = arith.constant 0 : index
    %get3A_70 = arith.constant 0 : index
    %get3A_71 = vector.load %arg9[%get3A_69, %get3A_70] : memref<1x1xf32, #tpu.memory_space<vmem>>, vector<1x1xf32>
    %reduce_sum3A = vector.shape_cast %broadcast_in_dim3A : vector<256x1xf32> to vector<1x256x1xf32>
    %reduce_sum3A_72 = arith.constant dense<0.000000e+00> : vector<1xf32>
    %reduce_sum3A_73 = vector.multi_reduction <add>, %reduce_sum3A, %reduce_sum3A_72 [1, 2] : vector<1x256x1xf32> to vector<1xf32>
    %reduce_sum3A_74 = vector.shape_cast %reduce_sum3A_73 : vector<1xf32> to vector<1x1x1xf32>
    %reduce_sum3A_75 = vector.extract %reduce_sum3A_74[0, 0, 0] : f32 from vector<1x1x1xf32>
    %add3A_76 = vector.broadcast %reduce_sum3A_75 : f32 to vector<1x1xf32>
    %add3A_77 = arith.addf %get3A_71, %add3A_76 : vector<1x1xf32>
    %mul3A_78 = arith.constant 9.53674316E-7 : f32
    %mul3A_79 = vector.broadcast %mul3A_78 : f32 to vector<1x1xf32>
    %mul3A_80 = arith.mulf %add3A_77, %mul3A_79 : vector<1x1xf32>
    %select_n3A_81 = arith.select %and3A_7, %mul3A_80, %add3A_77 : vector<1x1xf32>
    %swap3A_82 = arith.constant 0 : index
    %swap3A_83 = arith.constant 0 : index
    %swap3A_84 = vector.load %arg9[%swap3A_82, %swap3A_83] : memref<1x1xf32, #tpu.memory_space<vmem>>, vector<1x1xf32>
    tpu.vector_store %arg9[%swap3A_82, %swap3A_83], %select_n3A_81 {strides = array<i32>} : memref<1x1xf32, #tpu.memory_space<vmem>>, vector<1x1xf32>,
    return
  }
  func.func @transform_0(%arg0: i32, %arg1: i32) -> (i32, i32, i32) {
    %c0_i32 = arith.constant 0 : i32
    %c0_i32_0 = arith.constant 0 : i32
    return %arg0, %arg1, %c0_i32 : i32, i32, i32
  }
  func.func @transform_1(%arg0: i32, %arg1: i32) -> (i32, i32, i32) {
    %c0_i32 = arith.constant 0 : i32
    %c0_i32_0 = arith.constant 0 : i32
    %c0_i32_1 = arith.constant 0 : i32
    return %arg0, %c0_i32, %c0_i32_0 : i32, i32, i32
  }
  func.func @transform_2(%arg0: i32, %arg1: i32) -> (i32, i32, i32) {
    %c0_i32 = arith.constant 0 : i32
    %c0_i32_0 = arith.constant 0 : i32
    %c0_i32_1 = arith.constant 0 : i32
    return %arg0, %c0_i32, %c0_i32_0 : i32, i32, i32
  }
  func.func @transform_3(%arg0: i32, %arg1: i32) -> (i32, i32, i32) {
    %mul3A = arith.constant 16 : i32
    %mul3A_0 = arith.muli %arg0, %mul3A : i32
    %add3A = arith.addi %mul3A_0, %arg1 : i32
    %c0_i32 = arith.constant 0 : i32
    %c0_i32_1 = arith.constant 0 : i32
    %c0_i32_2 = arith.constant 0 : i32
    return %add3A, %c0_i32, %c0_i32_1 : i32, i32, i32
  }
  func.func @transform_4(%arg0: i32, %arg1: i32) -> (i32, i32, i32) {
    %mul3A = arith.constant 16 : i32
    %mul3A_0 = arith.muli %arg0, %mul3A : i32
    %add3A = arith.addi %mul3A_0, %arg1 : i32
    %c0_i32 = arith.constant 0 : i32
    %c0_i32_1 = arith.constant 0 : i32
    %c0_i32_2 = arith.constant 0 : i32
    return %add3A, %c0_i32, %c0_i32_1 : i32, i32, i32
  }
  func.func @transform_5(%arg0: i32, %arg1: i32) -> (i32, i32, i32) {
    %mul3A = arith.constant 16 : i32
    %mul3A_0 = arith.muli %arg0, %mul3A : i32
    %add3A = arith.addi %mul3A_0, %arg1 : i32
    %c0_i32 = arith.constant 0 : i32
    %c0_i32_1 = arith.constant 0 : i32
    %c0_i32_2 = arith.constant 0 : i32
    return %add3A, %c0_i32, %c0_i32_1 : i32, i32, i32
  }
  func.func @transform_6(%arg0: i32, %arg1: i32) -> (i32, i32, i32) {
    %c0_i32 = arith.constant 0 : i32
    %c0_i32_0 = arith.constant 0 : i32
    return %arg0, %arg1, %c0_i32 : i32, i32, i32
  }
  func.func @transform_7(%arg0: i32, %arg1: i32) -> (i32, i32) {
    %c0_i32 = arith.constant 0 : i32
    %c0_i32_0 = arith.constant 0 : i32
    %c0_i32_1 = arith.constant 0 : i32
    return %c0_i32, %c0_i32_0 : i32, i32
  }
}

module attributes {stable_mosaic.version = 14 : i64} {
  func.func @_finalize_body(%arg0: i32, %arg1: memref<1x8192x48xf32, #tpu.memory_space<vmem>>, %arg2: memref<1x4096x32xf32, #tpu.memory_space<vmem>>, %arg3: memref<1x8192x32xf32, #tpu.memory_space<vmem>>, %arg4: memref<1x1x8192xf32, #tpu.memory_space<vmem>>, %arg5: memref<128x1024xf32, #tpu.memory_space<vmem>>, %arg6: memref<1x1xf32, #tpu.memory_space<vmem>>, %arg7: memref<1x8192x32xf32, #tpu.memory_space<vmem>>, %arg8: memref<1x1x8192xf32, #tpu.memory_space<vmem>>, %arg9: memref<1x8192x32xf32, #tpu.memory_space<vmem>>) attributes {dimension_semantics = [#tpu.dimension_semantics<arbitrary>], iteration_bounds = array<i64: 2>, scalar_prefetch = 0 : i64, scratch_operands = 0 : i64, tpu.core_type = #tpu.core_type<tc>, window_params = [{transform_indices = @transform_0, window_bounds = array<i64: 1, 8192, 48>}, {transform_indices = @transform_1, window_bounds = array<i64: 1, 4096, 32>}, {transform_indices = @transform_2, window_bounds = array<i64: 1, 8192, 32>}, {transform_indices = @transform_3, window_bounds = array<i64: 1, 1, 8192>}, {transform_indices = @transform_4, window_bounds = array<i64: 128, 1024>}, {pipeline_mode = #tpu.pipeline_mode<synchronous>, transform_indices = @transform_5, window_bounds = array<i64: 1, 1>}, {transform_indices = @transform_6, window_bounds = array<i64: 1, 8192, 32>}, {transform_indices = @transform_7, window_bounds = array<i64: 1, 1, 8192>}, {transform_indices = @transform_8, window_bounds = array<i64: 1, 8192, 32>}]} {
    %get3A = arith.constant 0 : index
    %get3A_0 = arith.constant 0 : index
    %get3A_1 = arith.constant 0 : index
    %get3A_2 = vector.load %arg1[%get3A, %get3A_0, %get3A_1] : memref<1x8192x48xf32, #tpu.memory_space<vmem>>, vector<1x8192x48xf32>
    %get3A_3 = vector.shape_cast %get3A_2 : vector<1x8192x48xf32> to vector<8192x48xf32>
    %slice3A = vector.extract_strided_slice %get3A_3 {offsets = [0, 0], sizes = [8192, 32], strides = [1, 1]} : vector<8192x48xf32> to vector<8192x32xf32>
    %slice3A_4 = vector.extract_strided_slice %get3A_3 {offsets = [0, 32], sizes = [8192, 1], strides = [1, 1]} : vector<8192x48xf32> to vector<8192x1xf32>
    %get3A_5 = arith.constant 0 : index
    %get3A_6 = arith.constant 0 : index
    %get3A_7 = arith.constant 0 : index
    %get3A_8 = vector.load %arg4[%get3A_5, %get3A_6, %get3A_7] : memref<1x1x8192xf32, #tpu.memory_space<vmem>>, vector<1x1x8192xf32>
    %get3A_9 = vector.shape_cast %get3A_8 : vector<1x1x8192xf32> to vector<1x8192xf32>
    %transpose3A = tpu.transpose %get3A_9, [1, 0] : vector<1x8192xf32> -> vector<8192x1xf32>
    %mul3A = arith.constant 9.990000e-01 : f32
    %mul3A_10 = vector.broadcast %mul3A : f32 to vector<8192x1xf32>
    %mul3A_11 = arith.mulf %mul3A_10, %transpose3A : vector<8192x1xf32>
    %mul3A_12 = arith.constant 1.000000e-03 : f32
    %mul3A_13 = vector.broadcast %mul3A_12 : f32 to vector<8192x1xf32>
    %mul3A_14 = arith.mulf %mul3A_13, %slice3A_4 : vector<8192x1xf32>
    %add3A = arith.addf %mul3A_11, %mul3A_14 : vector<8192x1xf32>
    %reduce_sum3A = vector.shape_cast %add3A : vector<8192x1xf32> to vector<1x8192x1xf32>
    %reduce_sum3A_15 = arith.constant dense<0.000000e+00> : vector<1xf32>
    %reduce_sum3A_16 = vector.multi_reduction <add>, %reduce_sum3A, %reduce_sum3A_15 [1, 2] : vector<1x8192x1xf32> to vector<1xf32>
    %reduce_sum3A_17 = vector.shape_cast %reduce_sum3A_16 : vector<1xf32> to vector<1x1x1xf32>
    %reduce_sum3A_18 = vector.extract %reduce_sum3A_17[0, 0, 0] : f32 from vector<1x1x1xf32>
    %add3A_19 = arith.constant 9.99999974E-6 : f32
    %add3A_20 = vector.broadcast %add3A_19 : f32 to vector<8192x1xf32>
    %add3A_21 = arith.addf %add3A, %add3A_20 : vector<8192x1xf32>
    %add3A_22 = arith.constant 0.0819199979 : f32
    %add3A_23 = arith.addf %reduce_sum3A_18, %add3A_22 : f32
    %div3A = vector.broadcast %add3A_23 : f32 to vector<8192x1xf32>
    %div3A_24 = arith.divf %add3A_21, %div3A : vector<8192x1xf32>
    %mul3A_25 = vector.broadcast %reduce_sum3A_18 : f32 to vector<8192x1xf32>
    %mul3A_26 = arith.mulf %div3A_24, %mul3A_25 : vector<8192x1xf32>
    %transpose3A_27 = tpu.transpose %mul3A_26, [1, 0] : vector<8192x1xf32> -> vector<1x8192xf32>
    %swap3A = arith.constant 0 : index
    %swap3A_28 = arith.constant 0 : index
    %swap3A_29 = arith.constant 0 : index
    %swap3A_30 = vector.load %arg8[%swap3A, %swap3A_28, %swap3A_29] : memref<1x1x8192xf32, #tpu.memory_space<vmem>>, vector<1x1x8192xf32>
    %swap3A_31 = vector.shape_cast %swap3A_30 : vector<1x1x8192xf32> to vector<1x8192xf32>
    %swap3A_32 = vector.shape_cast %transpose3A_27 : vector<1x8192xf32> to vector<1x1x8192xf32>
    tpu.vector_store %arg8[%swap3A, %swap3A_28, %swap3A_29], %swap3A_32 {strides = array<i32>} : memref<1x1x8192xf32, #tpu.memory_space<vmem>>, vector<1x1x8192xf32>,
    %get3A_33 = arith.constant 0 : index
    %get3A_34 = arith.constant 0 : index
    %get3A_35 = arith.constant 0 : index
    %get3A_36 = vector.load %arg3[%get3A_33, %get3A_34, %get3A_35] : memref<1x8192x32xf32, #tpu.memory_space<vmem>>, vector<1x8192x32xf32>
    %get3A_37 = vector.shape_cast %get3A_36 : vector<1x8192x32xf32> to vector<8192x32xf32>
    %mul3A_38 = arith.constant 9.990000e-01 : f32
    %mul3A_39 = vector.broadcast %mul3A_38 : f32 to vector<8192x32xf32>
    %mul3A_40 = arith.mulf %mul3A_39, %get3A_37 : vector<8192x32xf32>
    %mul3A_41 = arith.constant 1.000000e-03 : f32
    %mul3A_42 = vector.broadcast %mul3A_41 : f32 to vector<8192x32xf32>
    %mul3A_43 = arith.mulf %mul3A_42, %slice3A : vector<8192x32xf32>
    %add3A_44 = arith.addf %mul3A_40, %mul3A_43 : vector<8192x32xf32>
    %swap3A_45 = arith.constant 0 : index
    %swap3A_46 = arith.constant 0 : index
    %swap3A_47 = arith.constant 0 : index
    %swap3A_48 = vector.load %arg9[%swap3A_45, %swap3A_46, %swap3A_47] : memref<1x8192x32xf32, #tpu.memory_space<vmem>>, vector<1x8192x32xf32>
    %swap3A_49 = vector.shape_cast %swap3A_48 : vector<1x8192x32xf32> to vector<8192x32xf32>
    %swap3A_50 = vector.shape_cast %add3A_44 : vector<8192x32xf32> to vector<1x8192x32xf32>
    tpu.vector_store %arg9[%swap3A_45, %swap3A_46, %swap3A_47], %swap3A_50 {strides = array<i32>} : memref<1x8192x32xf32, #tpu.memory_space<vmem>>, vector<1x8192x32xf32>,
    %div3A_51 = vector.broadcast %mul3A_26 : vector<8192x1xf32> to vector<8192x32xf32>
    %div3A_52 = arith.divf %add3A_44, %div3A_51 : vector<8192x32xf32>
    %swap3A_53 = arith.constant 0 : index
    %swap3A_54 = arith.constant 0 : index
    %swap3A_55 = arith.constant 0 : index
    %swap3A_56 = vector.load %arg7[%swap3A_53, %swap3A_54, %swap3A_55] : memref<1x8192x32xf32, #tpu.memory_space<vmem>>, vector<1x8192x32xf32>
    %swap3A_57 = vector.shape_cast %swap3A_56 : vector<1x8192x32xf32> to vector<8192x32xf32>
    %swap3A_58 = vector.shape_cast %div3A_52 : vector<8192x32xf32> to vector<1x8192x32xf32>
    tpu.vector_store %arg7[%swap3A_53, %swap3A_54, %swap3A_55], %swap3A_58 {strides = array<i32>} : memref<1x8192x32xf32, #tpu.memory_space<vmem>>, vector<1x8192x32xf32>,
    %get3A_59 = arith.constant 0 : index
    %get3A_60 = arith.constant 0 : index
    %get3A_61 = arith.constant 0 : index
    %get3A_62 = vector.load %arg2[%get3A_59, %get3A_60, %get3A_61] : memref<1x4096x32xf32, #tpu.memory_space<vmem>>, vector<1x4096x32xf32>
    %get3A_63 = vector.shape_cast %get3A_62 : vector<1x4096x32xf32> to vector<4096x32xf32>
    %reshape3A = vector.shape_cast %get3A_63 : vector<4096x32xf32> to vector<128x32x32xf32>
    %transpose3A_64 = tpu.transpose %reshape3A, [0, 2, 1] : vector<128x32x32xf32> -> vector<128x32x32xf32>
    %reshape3A_65 = vector.shape_cast %transpose3A_64 : vector<128x32x32xf32> to vector<128x1024xf32>
    %swap3A_66 = arith.constant 0 : index
    %swap3A_67 = arith.constant 0 : index
    %swap3A_68 = vector.load %arg5[%swap3A_66, %swap3A_67] : memref<128x1024xf32, #tpu.memory_space<vmem>>, vector<128x1024xf32>
    tpu.vector_store %arg5[%swap3A_66, %swap3A_67], %reshape3A_65 {strides = array<i32>} : memref<128x1024xf32, #tpu.memory_space<vmem>>, vector<128x1024xf32>,
    %eq3A = arith.constant 0 : i32
    %eq3A_69 = arith.cmpi eq, %arg0, %eq3A : i32
    %convert_element_type3A = arith.extui %eq3A_69 : i1 to i32
    %cond3A = arith.constant 0 : i32
    %cond3A_70 = arith.cmpi ne, %convert_element_type3A, %cond3A : i32
    scf.if %cond3A_70 {
      %broadcast_in_dim3A = arith.constant 0.000000e+00 : f32
      %broadcast_in_dim3A_92 = vector.broadcast %broadcast_in_dim3A : f32 to vector<1x1xf32>
      %swap3A_93 = arith.constant 0 : index
      %swap3A_94 = arith.constant 0 : index
      %swap3A_95 = vector.load %arg6[%swap3A_93, %swap3A_94] : memref<1x1xf32, #tpu.memory_space<vmem>>, vector<1x1xf32>
      tpu.vector_store %arg6[%swap3A_93, %swap3A_94], %broadcast_in_dim3A_92 {strides = array<i32>} : memref<1x1xf32, #tpu.memory_space<vmem>>, vector<1x1xf32>,
    } else {
    }
    %mul3A_71 = arith.constant 2.44140625E-4 : f32
    %mul3A_72 = vector.broadcast %mul3A_71 : f32 to vector<8192x1xf32>
    %mul3A_73 = arith.mulf %slice3A_4, %mul3A_72 : vector<8192x1xf32>
    %add3A_74 = arith.constant 1.000000e-10 : f32
    %add3A_75 = vector.broadcast %add3A_74 : f32 to vector<8192x1xf32>
    %add3A_76 = arith.addf %mul3A_73, %add3A_75 : vector<8192x1xf32>
    %log3A = math.log %add3A_76 : vector<8192x1xf32>
    %mul3A_77 = arith.mulf %mul3A_73, %log3A : vector<8192x1xf32>
    %reduce_sum3A_78 = vector.shape_cast %mul3A_77 : vector<8192x1xf32> to vector<1x8192x1xf32>
    %reduce_sum3A_79 = arith.constant dense<0.000000e+00> : vector<1xf32>
    %reduce_sum3A_80 = vector.multi_reduction <add>, %reduce_sum3A_78, %reduce_sum3A_79 [1, 2] : vector<1x8192x1xf32> to vector<1xf32>
    %reduce_sum3A_81 = vector.shape_cast %reduce_sum3A_80 : vector<1xf32> to vector<1x1x1xf32>
    %reduce_sum3A_82 = vector.extract %reduce_sum3A_81[0, 0, 0] : f32 from vector<1x1x1xf32>
    %neg3A = arith.constant 0.000000e+00 : f32
    %neg3A_83 = arith.subf %neg3A, %reduce_sum3A_82 : f32
    %get3A_84 = arith.constant 0 : index
    %get3A_85 = arith.constant 0 : index
    %get3A_86 = vector.load %arg6[%get3A_84, %get3A_85] : memref<1x1xf32, #tpu.memory_space<vmem>>, vector<1x1xf32>
    %exp3A = math.exp %neg3A_83 : f32
    %add3A_87 = vector.broadcast %exp3A : f32 to vector<1x1xf32>
    %add3A_88 = arith.addf %get3A_86, %add3A_87 : vector<1x1xf32>
    %swap3A_89 = arith.constant 0 : index
    %swap3A_90 = arith.constant 0 : index
    %swap3A_91 = vector.load %arg6[%swap3A_89, %swap3A_90] : memref<1x1xf32, #tpu.memory_space<vmem>>, vector<1x1xf32>
    tpu.vector_store %arg6[%swap3A_89, %swap3A_90], %add3A_88 {strides = array<i32>} : memref<1x1xf32, #tpu.memory_space<vmem>>, vector<1x1xf32>,
    return
  }
  func.func @transform_0(%arg0: i32) -> (i32, i32, i32) {
    %c0_i32 = arith.constant 0 : i32
    %c0_i32_0 = arith.constant 0 : i32
    %c0_i32_1 = arith.constant 0 : i32
    return %arg0, %c0_i32, %c0_i32_0 : i32, i32, i32
  }
  func.func @transform_1(%arg0: i32) -> (i32, i32, i32) {
    %c0_i32 = arith.constant 0 : i32
    %c0_i32_0 = arith.constant 0 : i32
    %c0_i32_1 = arith.constant 0 : i32
    return %arg0, %c0_i32, %c0_i32_0 : i32, i32, i32
  }
  func.func @transform_2(%arg0: i32) -> (i32, i32, i32) {
    %c0_i32 = arith.constant 0 : i32
    %c0_i32_0 = arith.constant 0 : i32
    %c0_i32_1 = arith.constant 0 : i32
    return %arg0, %c0_i32, %c0_i32_0 : i32, i32, i32
  }
  func.func @transform_3(%arg0: i32) -> (i32, i32, i32) {
    %c0_i32 = arith.constant 0 : i32
    %c0_i32_0 = arith.constant 0 : i32
    %c0_i32_1 = arith.constant 0 : i32
    return %arg0, %c0_i32, %c0_i32_0 : i32, i32, i32
  }
  func.func @transform_4(%arg0: i32) -> (i32, i32) {
    %c0_i32 = arith.constant 0 : i32
    %c0_i32_0 = arith.constant 0 : i32
    return %c0_i32, %arg0 : i32, i32
  }
  func.func @transform_5(%arg0: i32) -> (i32, i32) {
    %c0_i32 = arith.constant 0 : i32
    %c0_i32_0 = arith.constant 0 : i32
    %c0_i32_1 = arith.constant 0 : i32
    return %c0_i32, %c0_i32_0 : i32, i32
  }
  func.func @transform_6(%arg0: i32) -> (i32, i32, i32) {
    %c0_i32 = arith.constant 0 : i32
    %c0_i32_0 = arith.constant 0 : i32
    %c0_i32_1 = arith.constant 0 : i32
    return %arg0, %c0_i32, %c0_i32_0 : i32, i32, i32
  }
  func.func @transform_7(%arg0: i32) -> (i32, i32, i32) {
    %c0_i32 = arith.constant 0 : i32
    %c0_i32_0 = arith.constant 0 : i32
    %c0_i32_1 = arith.constant 0 : i32
    return %arg0, %c0_i32, %c0_i32_0 : i32, i32, i32
  }
  func.func @transform_8(%arg0: i32) -> (i32, i32, i32) {
    %c0_i32 = arith.constant 0 : i32
    %c0_i32_0 = arith.constant 0 : i32
    %c0_i32_1 = arith.constant 0 : i32
    return %arg0, %c0_i32, %c0_i32_0 : i32, i32, i32
  }
}

</mosaic_0001>

<sc_bundles>
// kernel: kernel.5.cloned.1.call-start
scs
__scs_entry_jumppad:
0x0: {  	(pc) =	sbr.rel $0x88, $3  }
0x1: {  	(tag) =	ssettag $0x0;
	lr =	simm.s32 $0x1  }
0x2: {  	[smem:$0x3F9D] =	sst lr;
	_ =	strace $0xD0000000  }
0x3: {  	_ = 	snop  }
0x4: {  	_ = 	snop  }
0x5: {  	_ = 	snop  }
0x6: {  	_ = 	snop  }
0x7: {  	_ = 	snop  }
__scs_overlays_trampoline_lowered:
0x8: {  	[smem:$0x3FAC] =	sst s0  }
0x9: {  	[smem:$0x3FAD] =	sst s1  }
0xa: {  	[smem:$0x3FAE] =	sst s2  }
0xb: {  	[smem:$0x3FAF] =	sst s3  }
0xc: {  	[smem:$0x3FB0] =	sst s4  }
0xd: {  	[smem:$0x3FB1] =	sst s5  }
0xe: {  	[smem:$0x3FB2] =	sst s6  }
0xf: {  	[smem:$0x3FB3] =	sst s7  }
0x10: {  	[smem:$0x3FB4] =	sst s8  }
0x11: {  	[smem:$0x3FB5] =	sst s9;
	s0 =	simm.s32 @!p0 $0x0  }
0x12: {  	s1 =	sld [smem:$0x3F9B];
	s0 =	simm.s32 @p0 $0x1  }
0x13: {  	[smem:$0x3FB6] =	sst s0;
	s0 =	simm.s32 @!p1 $0x0  }
0x14: {  	s2 =	sld [smem:$0x3F9A];
	s0 =	simm.s32 @p1 $0x1  }
0x15: {  	[smem:$0x3FB7] =	sst s0;
	s0 =	simm.s32 @!p2 $0x0  }
0x16: {  	s3 =	sld [smem:$0x3FDB];
	s0 =	simm.s32 @p2 $0x1  }
0x17: {  	s4 =	simm.s32 $0x1BF5;
	[smem:$0x3FB9] =	sst s0  }
0x18: {  	s0 =	sld [smem:$0x3F9C];
	_ =	swait.ge [sflag:s4], $0x0  }
0x19: {  	s7 =	sld [smem:$0x3F9D]  }
0x1a: {  	s8 =	sadd.s32 $0xFFFFE003, lr  }
0x1b: {  	s9 =	sadd.s32 $0xFFFFFEF7, lr;
	s5 =	simm.s32 $0xFFFFFFFF;
	p2 =	slt.u32 s8, $0xFFFFF086  }
0x1c: {  	p1 =	slt.u32 s9, $0xF7A;
	s5 =	simm.s32 @!p2 $0x0  }
0x1d: {  	s5 =	simm.s32 @p1 $0x1;
	p0 =	seq.s32 s7, s2  }
0x1e: {  	s7 =	smul.u32 @!p0 $0xF7A, s2;
	p2 =	seq.s32 @!p0 s5, $0x0  }
0x1f: {  	s9 =	smul.u32 $0xF7A, s1;
	s8 =	simm.s32 @!p0 $0x1BF5;
	p2 =	por !p2, p0  }
0x20: {  	[sflag:s8] =	ssyncset.s32 @!p0 $0xFFFFF086;
	s6 =	sadd.s32 @!p0 s3, s7;
	s7 =	simm.s32 @!p0 $0x108  }
0x21: {  	s3 =	sadd.s32 s3, s9;
	s6 =	sadd.s32 @!p0 $0x88, s6;
	s7 =	simm.s32 @p2 $0x1082  }
0x22: {  	[simem:s7], [sflag:s8] =	dma.local @!p0 [hbm:s6], $0xF7A  }
0x23: {  	s9 =	sor.u32 $0xD0000000, s2;
	s6 =	simm.s32 $0x108;
	_ =	swait.ge @!p0 [sflag:s8], $0x0  }
0x24: {  	s3 =	sadd.s32 $0x88, s3;
	s6 =	simm.s32 @!p1 $0x1082;
	[sflag:s4] =	ssyncset.s32 $0xFFFFF086  }
0x25: {  	[simem:s6], [sflag:s4] =	dma.local [hbm:s3], $0xF7A  }
0x26: {  	[smem:$0x3F9D] =	sst s1;
	(tag) =	ssettag s2;
	_ =	strace s9  }
0x27: {  	s1 =	sld [smem:$0x3FAD]  }
0x28: {  	s2 =	sld [smem:$0x3FAE]  }
0x29: {  	s4 =	sld [smem:$0x3FB0]  }
0x2a: {  	p0 =	seq.s32 s5, $0x0;
	s5 =	sld [smem:$0x3FB1]  }
0x2b: {  	s6 =	sld [smem:$0x3FB2]  }
0x2c: {  	s7 =	sld [smem:$0x3FB3]  }
0x2d: {  	s3 =	simm.s32 $0x108;
	s8 =	sld [smem:$0x3FB4]  }
0x2e: {  	s3 =	simm.s32 @!p0 $0x1082;
	s9 =	sld [smem:$0x3FB5]  }
0x2f: {  	lr =	sadd.s32 s0, s3;
	s0 =	sld [smem:$0x3FAC]  }
0x30: {  	s3 =	sld [smem:$0x3FAF]  }
0x31: {  	[smem:$0x3FB8] =	sst s10  }
0x32: {  	s10 =	sld [smem:$0x3FB6];
	_ =	sdelay $0x3  }
0x33: {  	p0 =	seq.s32 s10, $0x1;
	s10 =	sld [smem:$0x3FB8];
	_ =	sdelay $0x3  }
0x34: {  	[smem:$0x3FB8] =	sst s10  }
0x35: {  	s10 =	sld [smem:$0x3FB7];
	_ =	sdelay $0x3  }
0x36: {  	p1 =	seq.s32 s10, $0x1;
	s10 =	sld [smem:$0x3FB8];
	_ =	sdelay $0x3  }
0x37: {  	[smem:$0x3FB8] =	sst s10  }
0x38: {  	s10 =	sld [smem:$0x3FB9]  }
0x39: {  	_ = 	snop;
	(pc) =	sbr.ind lr, $3  }
0x3a: {  	_ = 	snop  }
0x3b: {  	_ = 	snop  }
0x3c: {  	p2 =	seq.s32 s10, $0x1;
	s10 =	sld [smem:$0x3FB8]  }
0x3d: {  	_ =	shalt  }
0x3e: {  	_ =	shalt  }
0x3f: {  	_ =	shalt  }
0x40: {  	_ =	shalt  }
0x41: {  	_ =	shalt  }
0x42: {  	_ =	shalt  }
0x43: {  	_ =	shalt  }
0x44: {  	_ =	shalt  }
0x45: {  	_ =	shalt  }
0x46: {  	_ =	shalt  }
0x47: {  	_ =	shalt  }
0x48: {  	_ =	shalt  }
0x49: {  	_ =	shalt  }
0x4a: {  	_ =	shalt  }
0x4b: {  	_ =	shalt  }
0x4c: {  	_ =	shalt  }
0x4d: {  	_ =	shalt  }
0x4e: {  	_ =	shalt  }
0x4f: {  	_ =	shalt  }
0x50: {  	_ =	shalt  }
0x51: {  	_ =	shalt  }
0x52: {  	_ =	shalt  }
0x53: {  	_ =	shalt  }
0x54: {  	_ =	shalt  }
0x55: {  	_ =	shalt  }
0x56: {  	_ =	shalt  }
0x57: {  	_ =	shalt  }
0x58: {  	_ =	shalt  }
0x59: {  	_ =	shalt  }
0x5a: {  	_ =	shalt  }
0x5b: {  	_ =	shalt  }
0x5c: {  	_ =	shalt  }
0x5d: {  	_ =	shalt  }
0x5e: {  	_ =	shalt  }
0x5f: {  	_ =	shalt  }
0x60: {  	_ =	shalt  }
0x61: {  	_ =	shalt  }
0x62: {  	_ =	shalt  }
0x63: {  	_ =	shalt  }
0x64: {  	_ =	shalt  }
0x65: {  	_ =	shalt  }
0x66: {  	_ =	shalt  }
0x67: {  	_ =	shalt  }
0x68: {  	_ =	shalt  }
0x69: {  	_ =	shalt  }
0x6a: {  	_ =	shalt  }
0x6b: {  	_ =	shalt  }
0x6c: {  	_ =	shalt  }
0x6d: {  	_ =	shalt  }
0x6e: {  	_ =	shalt  }
0x6f: {  	_ =	shalt  }
0x70: {  	_ =	shalt  }
0x71: {  	_ =	shalt  }
0x72: {  	_ =	shalt  }
0x73: {  	_ =	shalt  }
0x74: {  	_ =	shalt  }
0x75: {  	_ =	shalt  }
0x76: {  	_ =	shalt  }
0x77: {  	_ =	shalt  }
0x78: {  	_ =	shalt  }
0x79: {  	_ =	shalt  }
0x7a: {  	_ =	shalt  }
0x7b: {  	_ =	shalt  }
0x7c: {  	_ =	shalt  }
0x7d: {  	_ =	shalt  }
0x7e: {  	_ =	shalt  }
0x7f: {  	_ =	shalt  }
0x80: {  	_ =	shalt  }
0x81: {  	_ =	shalt  }
0x82: {  	_ =	shalt  }
0x83: {  	_ =	shalt  }
0x84: {  	_ =	shalt  }
0x85: {  	_ =	shalt  }
0x86: {  	_ =	shalt  }
0x87: {  	_ =	shalt  }
.Lfunc_end0:
.L_simem_size_0:
called_computation_lowered:
.L_overlay_start_0:
0x88: {  	s2 =	sld [smem:$0x3FD9]  }
0x89: {  	s3 =	sld [smem:$0x3FFE];
	_ =	sdelay $0x1  }
0x8a: {  	s1 =	srdreg.scid  }
0x8b: {  	s0 =	sand.u32 $0x1, s1  }
0x8c: {  	s14 =	sshll.u32 s0, $0xA;
	s2 =	sadd.s32 s3, s2  }
0x8d: {  	s2 =	sadd.s32 s2, s14  }
0x8e: {  	[smem:$0x3FC4] =	sst s2  }
0x8f: {  	_ = 	snop  }
0x90: {  	s2 =	sld [smem:$0x3FD0];
	_ =	sdelay $0x2  }
0x91: {  	s15 =	simm.s32 $0xA;
	s4 =	simm.s32 $0x10  }
0x92: {  	[smem:s4], [sflag:s15] =	dma.local [hbm:s2], $0x1  }
0x93: {  	_ =	swait.eq [sflag:s15], $0x1  }
0x94: {  	s16 =	sld [smem:$0x10]  }
0x95: {  	s17 =	sld [smem:$0x14]  }
0x96: {  	s5 =	sld [smem:$0x15];
	[sflag:s15] =	ssyncset.done $0x0  }
0x97: {  	s6 =	sld [smem:$0x16];
	[sflag:s15] =	ssyncadd.s32 $0xFFFFFFFF  }
0x98: {  	s18 =	sld [smem:$0x17];
	(tm) =	ssettm $0x1  }
0x99: {  	s7 =	sld [smem:$0x3FFB];
	_ =	sdelay $0x3  }
0x9a: {  	_ =	strace s7  }
0x9b: {  	s7 =	sld [smem:$0x3FFC];
	_ =	sdelay $0x3  }
0x9c: {  	_ =	strace s7  }
0x9d: {  	s7 =	sld [smem:$0x3FFD];
	_ =	sdelay $0x3  }
0x9e: {  	_ =	strace s7  }
0x9f: {  	_ =	strace $0x8FFFFFFF  }
0xa0: {  	s19 =	sld [smem:$0x3FDB];
	_ =	sdelay $0x1  }
0xa1: {  	s8 =	simm.s32 $_scs_section_size  }
0xa2: {  	s9 =	simm.s32 $_size__tile_overlayer_lowered;
	s10 =	simm.s32 $_tile_overlayer_lowered  }
0xa3: {  	s22 =	simm.s32 $0x1BFF;
	s21 =	sshll.u32 s10, $0x1;
	s7 =	sadd.s32 s8, s19  }
0xa4: {  	s11 =	simm.s32 $0x0;
	s20 =	sshll.u32 s9, $0x1;
	s9 =	sadd.s32 s21, s7  }
0xa5: {  	[timem:s11], [sflag:s22] =	dma.local [hbm:s9], s20  }
0xa6: {  	_ =	swait.ge [sflag:s22], s20  }
0xa7: {  	s8 =	ssub.s32 $0x0, s20;
	[sflag:s22] =	ssyncset.done $0x0  }
0xa8: {  	[sflag:s22] =	ssyncadd.s32 s8;
	_ =	sdelay $0x1  }
0xa9: {  	s23 =	simm.s32 $0x1B8B  }
0xaa: {  	_ =	swait.ge [sflag:s23], $0x1  }
0xab: {  	[sflag:s23] =	ssyncset.done $0x0  }
0xac: {  	s25 =	simm.s32 $0x1B8E;
	s24 =	sld [smem:$0x3FFE];
	[sflag:s23] =	ssyncadd.s32 $0xFFFFFFFF  }
0xad: {  	s26 =	simm.s32 $execute0_lowered;
	[smem:$0x3FD2] =	sst s25  }
0xae: {  	s9 =	sshll.u32 s26, $0x1;
	_ =	strace $0x80000046;
	[dreg:$0x1] =	wrdreg $0xFFFFFFFF  }
0xaf: {  	s28 =	simm.s32 $_size_execute0_lowered;
	s7 =	sadd.s32 s7, s9;
	[dreg:$0x0] =	wrdreg $0x0  }
0xb0: {  	s9 =	sshll.u32 s28, $0x1;
	[dreg:$0x2] =	wrdreg s7  }
0xb1: {  	[dreg:$0x3] =	wrdreg s9  }
0xb2: {  	[dreg:$0x4] =	wrdreg $0xC0  }
0xb3: {  	_ =	task [dreg:s11], $0x5FFFF  }
0xb4: {  	[dreg:$0x1] =	wrdreg $0xFFFFFFFF  }
0xb5: {  	[dreg:$0x0] =	wrdreg $0x60  }
0xb6: {  	[dreg:$0x2] =	wrdreg s6  }
0xb7: {  	[dreg:$0x3] =	wrdreg s16  }
0xb8: {  	[dreg:$0x4] =	wrdreg s5  }
0xb9: {  	[dreg:$0x5] =	wrdreg s18  }
0xba: {  	[dreg:$0x6] =	wrdreg s24  }
0xbb: {  	[dreg:$0x7] =	wrdreg s17  }
0xbc: {  	[dreg:$0x8] =	wrdreg $0xB2000  }
0xbd: {  	[dreg:$0x9] =	wrdreg $0x9  }
0xbe: {  	_ =	task.clear_ibuf [dreg:s11], $0xAFFFF;
	_ =	strace $0x90000046  }
0xbf: {  	s29 =	simm.s32 $0x9;
	_ =	strace $0x80000048  }
0xc0: {  	_ =	swait.ge [sflag:s29], $0x1  }
0xc1: {  	[sflag:s29] =	ssyncadd.s32 $0xFFFFFFFF  }
0xc2: {  	_ =	strace $0x90000048  }
0xc3: {  	_ =	sfence  }
0xc4: {  	s30 =	sld [smem:$0x0];
	_ =	sdelay $0x2  }
0xc5: {  	s31 =	sshll.u32 s1, $0xD;
	s1 =	sshrl.u32 s1, $0x2  }
0xc6: {  	s3 =	sand.u32 $0x4000, s31;
	s1 =	sadd.s32 s1, s30  }
0xc7: {  	s0 =	sor.u32 s3, s0;
	s1 =	sshll.u32 s1, $0x11  }
0xc8: {  	s0 =	sor.u32 s1, s0  }
0xc9: {  	s0 =	sadd.s32 $0x8F2B, s0  }
0xca: {  	[sflag:s0] =	ssyncadd.remote.s32 $0x1  }
0xcb: {  	_ =	sfence.sel $0xFFFF  }
0xcc: {  	[dreg:$0x0] =	wrdreg $0xFFFFFFFF;
	(pc) =	sbr.abs _section_cstart, $3  }
0xcd: {  	[dreg:$0x1] =	wrdreg $0xFFFFFFFF  }
0xce: {  	_ =	task.clear_ibuf [dreg:s11], $0x2FFFF;
	_ =	strace $0x9FFFFFFF  }
0xcf: {  	(tm) =	ssettm $0x7FFFFFFF  }
tec
execute0_lowered:
.L_overlay_start_1:
0x0: {  	(tag) =	ssettag $0x1  }
0x1: {  	s5 =	rddreg [dreg:$0x0]  }
0x2: {  	s6 =	rddreg [dreg:$0x1]  }
0x3: {  	s7 =	rddreg [dreg:$0x2]  }
0x4: {  	s1 =	rddreg [dreg:$0x3]  }
0x5: {  	s8 =	rddreg [dreg:$0x4]  }
0x6: {  	s10 =	rddreg [dreg:$0x5]  }
0x7: {  	s3 =	rddreg [dreg:$0x6]  }
0x8: {  	s4 =	srdreg.scid;
	s0 =	rddreg [dreg:$0x7]  }
0x9: {  	s2 =	stileid.u32;
	s16 =	simm.s32 $0x80;
	s17 =	simm.s32 $0x1A00  }
0xa: {  	s20 =	simm.s32 $0x3200;
	s21 =	simm.s32 $0x1;
	s22 =	simm.s32 $0x180  }
0xb: {  	s23 =	simm.s32 $0x4200;
	s24 =	simm.s32 $0x0;
	s9 =	sand.u32 $0x1, s4  }
0xc: {  	s4 =	simm.s32 $0x0;
	s11 =	sshll.u32 s2, $0x9;
	s13 =	sshll.u32 s2, $0x8  }
0xd: {  	s15 =	smul.u32 $0x18000, s2;
	s18 =	sshll.u32 s2, $0x6;
	s12 =	sshll.u32 s9, $0xD  }
0xe: {  	[smem:$0x7FF] =	sst s4;
	s26 =	sshll.u32 s9, $0xC;
	s28 =	ssub.s32 $0x2, s9  }
0xf: {  	s18 =	sor.u32 $0x1C02, s18;
	s11 =	sor.u32 s11, s12;
	_ =	strace $0x80000047  }
0x10: {  	s12 =	sor.u32 s13, s26;
	s30 =	sshrl.u32 s28, $0x1;
	s11 =	smul.u32 $0x6, s11  }
0x11: {  	s31 =	sshrl.u32 s15, $0x2;
	s15 =	simm.s32 $0x5200;
	s29 =	smul.u32 $0x6, s12  }
0x12: {  	s14 =	sshrl.u32 s12, $0x3;
	s13 =	ssub.s32 s28, s30;
	s12 =	sshll.u32 s12, $0x2  }
0x13: {  	s5 =	sadd.s32 s5, s14;
	s6 =	sadd.s32 s6, s14;
	s10 =	sadd.s32 s10, s12  }
0x14: {  	s12 =	simm.s32 $0x2;
	s14 =	simm.s32 $0x200;
	s11 =	sadd.s32 s11, s8  }
0x15: {  	s7 =	sadd.s32 s7, s29;
	s8 =	sadd.s32 s31, s3;
	s9 =	sadd.s32 $0x1200, s11  }
0x16: {  	v0 =	vimm.f32 $0.0e+00;
	s11 =	smax.u32 s13, $0x1;
	s13 =	simm.s32 $0x100;
	s19 =	sshrl.u32 s8, $0x3  }
.LBB2_1:
0x17: {  	[tilespmem:s4], [sflag:$0x2] =	stream.linear.gather [hbm4b:s5+s4], $0x100, $0x38;
	[tilespmem:$0x11200] =	vst v63  }
0x18: {  	_ =	swait.ge [sflag:s12], $0x100  }
0x19: {  	[sflag:s12] =	ssyncset.done $0x0  }
0x1a: {  	[sflag:s12] =	ssyncadd.s32 $0xFFFFFF00  }
0x1b: {  	[tilespmem:s13], [sflag:$0x2] =	stream.linear.gather [hbm4b:s6+s4], $0x100, $0x38;
	[tilespmem:$0x11200] =	vst v63  }
0x1c: {  	_ =	swait.ge [sflag:s12], $0x100  }
0x1d: {  	[sflag:s12] =	ssyncset.done $0x0  }
0x1e: {  	[sflag:s12] =	ssyncadd.s32 $0xFFFFFF00  }
0x1f: {  	[tilespmem:s14], [sflag:$0x2] =	stream.linear.gather [hbm4b:s7+s4], $0x3000, $0x38;
	[tilespmem:$0x11200] =	vst v63  }
0x20: {  	_ =	swait.ge [sflag:s12], $0x3000  }
0x21: {  	[sflag:s12] =	ssyncset.done $0x0  }
0x22: {  	s25 =	simm.s32 $0xC0;
	s26 =	simm.s32 $0x0;
	[sflag:s12] =	ssyncadd.s32 $0xFFFFD000  }
.LBB2_2:
0x23: {  	p0 =	sne.s32 s25, $0x17F40;
	[tilespmem:s26+$0x5220] =	vst v0;
	s28 =	smov.u32 s25;
	s25 =	sadd.s32 $0xC0, s25  }
.Ltmp0:
0x24: {  	[tilespmem:s26+$0x5200] =	vst v0;
	(pc) =	sbr.rel @p0 .LBB2_2-.Ltmp0, $2  }
0x25: {  	[tilespmem:s26+$0x5210] =	vst v0;
	_ =	sdelay $0x2  }
0x26: {  	s26 =	sshra.s32 s28, $0x2  }
0x27: {  	[tilespmem:s26+$0x5220] =	vst v0  }
0x28: {  	[tilespmem:s26+$0x5200] =	vst v0  }
0x29: {  	[tilespmem:s26+$0x5210] =	vst v0  }
0x2a: {  	[spmem:s8] =	stream.linear.scatter [tilespmem:s15], [sflag:$0x2], $0x6000, $0x38;
	[tilespmem:$0x11200] =	vst v63  }
0x2b: {  	_ =	swait.ge [sflag:s12], $0x6000  }
0x2c: {  	[sflag:s12] =	ssyncset.done $0x0  }
0x2d: {  	[sflag:s12] =	ssyncadd.s32 $0xFFFFA000  }
0x2e: {  	[bflag:$0x0] =	sbarrier.arrive $0xFFFF  }
0x2f: {  	[spmem:s3] =	stream.indirect.scatter.add.f32 [tilespmem:s14], [sflag:$0x2], $0x30, s4, s16, $0xb8;
	[tilespmem:$0x11200] =	vst v63  }
0x30: {  	_ =	swait.ge [sflag:s12], $0x1800  }
0x31: {  	[sflag:s12] =	ssyncset.done $0x0  }
0x32: {  	[sflag:s12] =	ssyncadd.s32 $0xFFFFE800  }
0x33: {  	[spmem:s3] =	stream.indirect.scatter.add.f32 [tilespmem:s17], [sflag:$0x2], $0x30, s16, s16, $0xb8;
	[tilespmem:$0x11200] =	vst v63  }
0x34: {  	_ =	swait.ge [sflag:s12], $0x1800  }
0x35: {  	[sflag:s12] =	ssyncset.done $0x0  }
0x36: {  	[sflag:s12] =	ssyncadd.s32 $0xFFFFE800  }
0x37: {  	[bflag:$0x0] =	sbarrier.arrive $0xFFFF  }
0x38: {  	[hbm:s9], [sflag:s18] =	dma.local [spmem:s19], $0xC00  }
0x39: {  	_ =	swait.ge [sflag:s12], $0xC00  }
0x3a: {  	[sflag:s12] =	ssyncset.done $0x0  }
0x3b: {  	[sflag:s12] =	ssyncadd.s32 $0xFFFFF400  }
0x3c: {  	[tilespmem:s20], [sflag:$0x1] =	stream.indirect.gather [hbm4b:s1+s16], $0x20, s13, s16, $0xb8;
	[tilespmem:$0x11200] =	vst v63  }
0x3d: {  	_ =	swait.ge [sflag:s21], $0x1000  }
0x3e: {  	[sflag:s21] =	ssyncset.done $0x0  }
0x3f: {  	[sflag:s21] =	ssyncadd.s32 $0xFFFFF000  }
0x40: {  	[tilespmem:s23], [sflag:$0x1] =	stream.indirect.gather [hbm4b:s1+s16], $0x20, s22, s16, $0xb8;
	[tilespmem:$0x11200] =	vst v63  }
0x41: {  	s24 =	sadd.s32 $0x1, s24;
	_ =	swait.ge [sflag:s21], $0x1000  }
0x42: {  	p0 =	sne.s32 s24, s11;
	[sflag:s21] =	ssyncset.done $0x0  }
.Ltmp1:
0x43: {  	[sflag:s21] =	ssyncadd.s32 $0xFFFFF000;
	(pc) =	sbr.rel @p0 .LBB2_1-.Ltmp1, $4  }
0x44: {  	[hbm4b:s10+s4] =	stream.linear.scatter [tilespmem:s20], [sflag:$0x2], $0x2000, $0x38;
	[tilespmem:$0x11200] =	vst v63  }
0x45: {  	_ =	swait.ge [sflag:s12], $0x2000  }
0x46: {  	[sflag:s12] =	ssyncset.done $0x0  }
0x47: {  	[sflag:s12] =	ssyncadd.s32 $0xFFFFE000  }
0x48: {  	_ =	sfence.sel $0x180000  }
0x49: {  	[bflag:$0x0] =	sbarrier.arrive $0xFFFF  }
0x4a: {  	p0 =	sne.s32 s2, $0x0;
	_ =	strace $0x90000047  }
0x4b: {  	s0 =	sadd.s32 @!p0 $0x100000, s0;
	[bflag:$0x2] =	sbarrier.arrive $0xFFFF  }
0x4c: {  	[sflag:s0] =	ssyncadd.tile.s32 @!p0 $0x1;
	_ =	shalt  }
.Lfunc_end2:
_tile_overlayer_lowered:
.L_overlay_start_2:
0x4d: {  	(tag) =	ssettag $0x2  }
0x4e: {  	s0 =	rddreg [dreg:$0x0];
	s2 =	stileid.u32  }
0x4f: {  	s1 =	rddreg [dreg:$0x1];
	p0 =	sne.s32 s2, $0x0  }
0x50: {  	s3 =	rddreg [dreg:$0x2];
	[bflag:$0x3] =	sbarrier.arrive $0xFFFF;
	s2 =	simm.s32 @!p0 $0x1C02  }
0x51: {  	[timem:s3], [sflag:s2] =	dma.local @!p0 [hbm:s0], s1  }
0x52: {  	s0 =	simm.s32 @!p0 $0x2  }
0x53: {  	_ =	swait.ge @!p0 [sflag:s0], s1  }
0x54: {  	s1 =	ssub.s32 @!p0 $0x0, s1;
	[sflag:s0] =	ssyncset.done @!p0 $0x0  }
0x55: {  	[sflag:s0] =	ssyncadd.s32 @!p0 s1  }
0x56: {  	[bflag:$0x3] =	sbarrier.arrive $0xFFFF  }
0x57: {  	_ =	shalt  }

</sc_bundles>
